<compile_context>
chip_gen: v7x
topology: tpu7x:2x2x1
jax: 0.10.2.dev20260603
libtpu: 0.0.44.dev20260713+nightly
codegen_flags: <defaults>
</compile_context>

<pallas_src>
import functools

import jax
import jax.numpy as jnp
from jax import lax
from jax.experimental import pallas as pl
from jax.experimental.pallas import tpu as pltpu
from jax.experimental.pallas import tpu_sc as plsc

N_FACTORS = 32
BATCH = 16384
NC = 2
NS = 16
NW = NC * NS
BPW = BATCH // NW
CH = 256
NCH = BPW // CH


def _mf_body(idx_hbm, uf_hbm, if_hbm, out_hbm,
             idx_v, u_v, i_v, out_v, gsem):
    wid = lax.axis_index("s") * NC + lax.axis_index("c")
    pltpu.sync_copy(idx_hbm.at[wid], idx_v)

    def chunk(c, carry):
        def fetch(g, carry2):
            vu = idx_v[0, pl.ds(c * CH + g * 16, 16)]
            vi = idx_v[1, pl.ds(c * CH + g * 16, 16)]
            for k in range(16):
                j = g * 16 + k
                pltpu.async_copy(uf_hbm.at[pl.ds(vu[k], 1)],
                                 u_v.at[pl.ds(j, 1)], gsem)
                pltpu.async_copy(if_hbm.at[pl.ds(vi[k], 1)],
                                 i_v.at[pl.ds(j, 1)], gsem)
            return carry2

        lax.fori_loop(0, CH // 16, fetch, 0)

        def drain(j, carry2):
            pltpu.make_async_copy(
                uf_hbm.at[pl.ds(0, 1)], u_v.at[pl.ds(0, 1)], gsem).wait()
            pltpu.make_async_copy(
                uf_hbm.at[pl.ds(0, 1)], i_v.at[pl.ds(0, 1)], gsem).wait()
            return carry2

        lax.fori_loop(0, CH, drain, 0)

        def group(g, carry2):
            rows = g * 16 + lax.broadcasted_iota(jnp.int32, (16,), 0)
            acc = jnp.zeros((16,), jnp.float32)
            for d in range(N_FACTORS):
                cols = jnp.full((16,), d, jnp.int32)
                acc = acc + (plsc.load_gather(u_v, [rows, cols]) *
                             plsc.load_gather(i_v, [rows, cols]))
            out_v[pl.ds(c * CH + g * 16, 16)] = 1.0 / (1.0 + jnp.exp(-acc))
            return carry2

        lax.fori_loop(0, CH // 16, group, 0)
        return carry

    lax.fori_loop(0, NCH, chunk, 0)
    pltpu.sync_copy(out_v, out_hbm.at[wid])


@jax.jit
def _mf(idx, user_factors, item_factors):
    mesh = plsc.VectorSubcoreMesh(core_axis_name="c", subcore_axis_name="s")
    f = functools.partial(
        pl.kernel,
        mesh=mesh,
        compiler_params=pltpu.CompilerParams(needs_layout_passes=False),
        out_type=jax.ShapeDtypeStruct((NW, BPW), jnp.float32),
        scratch_types=[
            pltpu.VMEM((2, BPW), jnp.int32),
            pltpu.VMEM((CH, N_FACTORS), jnp.float32),
            pltpu.VMEM((CH, N_FACTORS), jnp.float32),
            pltpu.VMEM((BPW,), jnp.float32),
            pltpu.SemaphoreType.DMA,
        ],
    )(_mf_body)
    return f(idx, user_factors, item_factors)


def kernel(X, user_factors, item_factors):
    Xi = X.astype(jnp.int32)
    idx = Xi.reshape(NW, BPW, 2).transpose(0, 2, 1)
    out = _mf(idx, user_factors, item_factors)
    return out.reshape(BATCH, 1)

# --- scband reference (transcript-rebuilt; emitter-appended) ---
"""Pipeline reference for scband-matrix-factorization-23845658428208 (READ-ONLY COPY).

The authoritative reference and input builder live on the scoring server;
editing this copy changes nothing except your own understanding.
"""

import jax, jax.numpy as jnp
import numpy as np

N_USERS = 1000000
N_ITEMS = 1000000
N_FACTORS = 32
BATCH = 16384

def setup_inputs(seed: int = 0) -> dict:
    key = jax.random.key(seed)
    k1, k2, k3 = jax.random.split(key, 3)
    X = jax.random.randint(k1, (BATCH, 2), 0, N_USERS, dtype=jnp.int64)
    user_factors = jax.random.normal(k2, (N_USERS, N_FACTORS), dtype=jnp.float32)
    item_factors = jax.random.normal(k3, (N_ITEMS, N_FACTORS), dtype=jnp.float32)
    return {"X": X, "user_factors": user_factors, "item_factors": item_factors}

def reference(X, user_factors, item_factors):
    user = X[:, 0].reshape(-1)
    item = X[:, 1].reshape(-1)
    u = jnp.take(user_factors, user, axis=0)
    v = jnp.take(item_factors, item, axis=0)
    logits = jnp.sum(u * v, axis=1, keepdims=True)
    return jax.nn.sigmoid(logits)

if __name__ == "__main__":
    import jax
    _d = setup_inputs()
    print(jax.jit(kernel)(*tuple(_d.values())))

</pallas_src>

<mosaic_0001>
#map = affine_map<(d0, d1) -> (0, 0, 0)>
#map1 = affine_map<(d0, d1) -> (0, 0)>
module attributes {stable_mosaic.version = 14 : i64} {
  func.func @_mf_body(%arg0: i32, %arg1: i32, %arg2: memref<32x2x512xi32, #tpu.memory_space<hbm>>, %arg3: memref<1000000x32xf32, #tpu.memory_space<hbm>>, %arg4: memref<1000000x32xf32, #tpu.memory_space<hbm>>, %arg5: memref<32x512xf32, #tpu.memory_space<hbm>>, %arg6: memref<2x512xi32, #tpu.memory_space<vmem>>, %arg7: memref<256x32xf32, #tpu.memory_space<vmem>>, %arg8: memref<256x32xf32, #tpu.memory_space<vmem>>, %arg9: memref<512xf32, #tpu.memory_space<vmem>>, %arg10: memref<!tpu.dma_semaphore, #tpu.memory_space<semaphore_mem>>) attributes {dimension_semantics = [#tpu.dimension_semantics<core_parallel>, #tpu.dimension_semantics<subcore_parallel>], iteration_bounds = array<i64: 2, 16>, scalar_prefetch = 0 : i64, scratch_operands = 5 : i64, tpu.core_type = #tpu.core_type<sc_vector_subcore>, window_params = [{transform_indices = #map}, {transform_indices = #map1}, {transform_indices = #map1}, {transform_indices = #map1}]} {
    %mul3A = arith.constant 2 : i32
    %mul3A_0 = arith.muli %arg1, %mul3A : i32
    %add3A = arith.addi %mul3A_0, %arg0 : i32
    "tpu.region"() ({
      %run_scoped3A = tpu.sem_alloc : memref<!tpu.dma_semaphore, #tpu.memory_space<semaphore_mem>>
      %dma_start3A = arith.constant 0 : i32
      %dma_start3A_6 = arith.constant 0 : i32
      %dma_start3A_7 = tpu.memref_slice %arg2[%add3A, %dma_start3A, %dma_start3A_6] : memref<32x2x512xi32, #tpu.memory_space<hbm>> -> memref<1x2x512xi32, #tpu.memory_space<hbm>>
      %dma_start3A_8 = tpu.memref_squeeze %dma_start3A_7 : memref<1x2x512xi32, #tpu.memory_space<hbm>> -> memref<2x512xi32, #tpu.memory_space<hbm>>
      %dma_start3A_9 = arith.constant 0 : i32
      %dma_start3A_10 = arith.constant 0 : i32
      %dma_start3A_11 = tpu.memref_slice %arg2[%add3A, %dma_start3A_9, %dma_start3A_10] : memref<32x2x512xi32, #tpu.memory_space<hbm>> -> memref<1x2x512xi32, #tpu.memory_space<hbm>>
      %dma_start3A_12 = tpu.memref_squeeze %dma_start3A_11 : memref<1x2x512xi32, #tpu.memory_space<hbm>> -> memref<2x512xi32, #tpu.memory_space<hbm>>
      tpu.enqueue_dma source(%dma_start3A_12 : memref<2x512xi32, #tpu.memory_space<hbm>>) target(%arg6 : memref<2x512xi32, #tpu.memory_space<vmem>>) target_semaphore(%run_scoped3A : memref<!tpu.dma_semaphore, #tpu.memory_space<semaphore_mem>>)
      %dma_wait3A = arith.constant 0 : i32
      %dma_wait3A_13 = arith.constant 0 : i32
      %dma_wait3A_14 = tpu.memref_slice %arg2[%add3A, %dma_wait3A, %dma_wait3A_13] : memref<32x2x512xi32, #tpu.memory_space<hbm>> -> memref<1x2x512xi32, #tpu.memory_space<hbm>>
      %dma_wait3A_15 = tpu.memref_squeeze %dma_wait3A_14 : memref<1x2x512xi32, #tpu.memory_space<hbm>> -> memref<2x512xi32, #tpu.memory_space<hbm>>
      %dma_wait3A_16 = arith.constant 0 : i32
      %dma_wait3A_17 = arith.constant 0 : i32
      %dma_wait3A_18 = tpu.memref_slice %arg2[%add3A, %dma_wait3A_16, %dma_wait3A_17] : memref<32x2x512xi32, #tpu.memory_space<hbm>> -> memref<1x2x512xi32, #tpu.memory_space<hbm>>
      %dma_wait3A_19 = tpu.memref_squeeze %dma_wait3A_18 : memref<1x2x512xi32, #tpu.memory_space<hbm>> -> memref<2x512xi32, #tpu.memory_space<hbm>>
      tpu.wait_dma2 semaphore(%run_scoped3A : memref<!tpu.dma_semaphore, #tpu.memory_space<semaphore_mem>>) src(%dma_wait3A_19 : memref<2x512xi32, #tpu.memory_space<hbm>>) dst(%arg6 : memref<2x512xi32, #tpu.memory_space<vmem>>)
      tpu.yield
    }) : () -> ()
    %scan3A = arith.constant 0 : i32
    %scan3A_1 = arith.constant 0 : i32
    %scan3A_2 = arith.constant 2 : i32
    %scan3A_3 = arith.addi %scan3A_1, %scan3A_2 : i32
    %scan3A_4 = arith.constant 1 : i32
    scf.for %scan3A_6 = %scan3A_1 to %scan3A_3 step %scan3A_4  : i32 {
      %scan3A_7 = arith.constant 0 : i32
      %scan3A_8 = arith.constant 0 : i32
      %scan3A_9 = arith.constant 16 : i32
      %scan3A_10 = arith.addi %scan3A_8, %scan3A_9 : i32
      %scan3A_11 = arith.constant 1 : i32
      scf.for %scan3A_25 = %scan3A_8 to %scan3A_10 step %scan3A_11  : i32 {
        %mul3A_26 = arith.constant 256 : i32
        %mul3A_27 = arith.muli %scan3A_6, %mul3A_26 : i32
        %mul3A_28 = arith.constant 16 : i32
        %mul3A_29 = arith.muli %scan3A_25, %mul3A_28 : i32
        %add3A_30 = arith.addi %mul3A_27, %mul3A_29 : i32
        %get3A = arith.constant 0 : i32
        %get3A_31 = arith.index_cast %get3A : i32 to index
        %get3A_32 = arith.index_cast %add3A_30 : i32 to index
        %get3A_33 = tpu.vector_load %arg6[%get3A_31, %get3A_32] {strides = array<i32>} : memref<2x512xi32, #tpu.memory_space<vmem>>, vector<16xi32>,
        %mul3A_34 = arith.constant 256 : i32
        %mul3A_35 = arith.muli %scan3A_6, %mul3A_34 : i32
        %mul3A_36 = arith.constant 16 : i32
        %mul3A_37 = arith.muli %scan3A_25, %mul3A_36 : i32
        %add3A_38 = arith.addi %mul3A_35, %mul3A_37 : i32
        %get3A_39 = arith.constant 1 : i32
        %get3A_40 = arith.index_cast %get3A_39 : i32 to index
        %get3A_41 = arith.index_cast %add3A_38 : i32 to index
        %get3A_42 = tpu.vector_load %arg6[%get3A_40, %get3A_41] {strides = array<i32>} : memref<2x512xi32, #tpu.memory_space<vmem>>, vector<16xi32>,
        %mul3A_43 = arith.constant 16 : i32
        %mul3A_44 = arith.muli %scan3A_25, %mul3A_43 : i32
        %add3A_45 = arith.constant 0 : i32
        %add3A_46 = arith.addi %mul3A_44, %add3A_45 : i32
        %slice3A = vector.extract_strided_slice %get3A_33 {offsets = [0], sizes = [1], strides = [1]} : vector<16xi32> to vector<1xi32>
        %squeeze3A = vector.extract %slice3A[0] : i32 from vector<1xi32>
        %dma_start3A = arith.constant 0 : i32
        %dma_start3A_47 = tpu.memref_slice %arg7[%add3A_46, %dma_start3A] : memref<256x32xf32, #tpu.memory_space<vmem>> -> memref<1x32xf32, #tpu.memory_space<vmem>>
        %dma_start3A_48 = arith.constant 0 : i32
        %dma_start3A_49 = tpu.memref_slice %arg3[%squeeze3A, %dma_start3A_48] : memref<1000000x32xf32, #tpu.memory_space<hbm>> -> memref<1x32xf32, #tpu.memory_space<hbm>>
        %dma_start3A_50 = arith.constant 0 : i32
        %dma_start3A_51 = tpu.memref_slice %arg7[%add3A_46, %dma_start3A_50] : memref<256x32xf32, #tpu.memory_space<vmem>> -> memref<1x32xf32, #tpu.memory_space<vmem>>
        %dma_start3A_52 = arith.constant 0 : i32
        %dma_start3A_53 = tpu.memref_slice %arg3[%squeeze3A, %dma_start3A_52] : memref<1000000x32xf32, #tpu.memory_space<hbm>> -> memref<1x32xf32, #tpu.memory_space<hbm>>
        tpu.enqueue_dma source(%dma_start3A_53 : memref<1x32xf32, #tpu.memory_space<hbm>>) target(%dma_start3A_51 : memref<1x32xf32, #tpu.memory_space<vmem>>) target_semaphore(%arg10 : memref<!tpu.dma_semaphore, #tpu.memory_space<semaphore_mem>>)
        %slice3A_54 = vector.extract_strided_slice %get3A_42 {offsets = [0], sizes = [1], strides = [1]} : vector<16xi32> to vector<1xi32>
        %squeeze3A_55 = vector.extract %slice3A_54[0] : i32 from vector<1xi32>
        %dma_start3A_56 = arith.constant 0 : i32
        %dma_start3A_57 = tpu.memref_slice %arg8[%add3A_46, %dma_start3A_56] : memref<256x32xf32, #tpu.memory_space<vmem>> -> memref<1x32xf32, #tpu.memory_space<vmem>>
        %dma_start3A_58 = arith.constant 0 : i32
        %dma_start3A_59 = tpu.memref_slice %arg4[%squeeze3A_55, %dma_start3A_58] : memref<1000000x32xf32, #tpu.memory_space<hbm>> -> memref<1x32xf32, #tpu.memory_space<hbm>>
        %dma_start3A_60 = arith.constant 0 : i32
        %dma_start3A_61 = tpu.memref_slice %arg8[%add3A_46, %dma_start3A_60] : memref<256x32xf32, #tpu.memory_space<vmem>> -> memref<1x32xf32, #tpu.memory_space<vmem>>
        %dma_start3A_62 = arith.constant 0 : i32
        %dma_start3A_63 = tpu.memref_slice %arg4[%squeeze3A_55, %dma_start3A_62] : memref<1000000x32xf32, #tpu.memory_space<hbm>> -> memref<1x32xf32, #tpu.memory_space<hbm>>
        tpu.enqueue_dma source(%dma_start3A_63 : memref<1x32xf32, #tpu.memory_space<hbm>>) target(%dma_start3A_61 : memref<1x32xf32, #tpu.memory_space<vmem>>) target_semaphore(%arg10 : memref<!tpu.dma_semaphore, #tpu.memory_space<semaphore_mem>>)
        %mul3A_64 = arith.constant 16 : i32
        %mul3A_65 = arith.muli %scan3A_25, %mul3A_64 : i32
        %add3A_66 = arith.constant 1 : i32
        %add3A_67 = arith.addi %mul3A_65, %add3A_66 : i32
        %slice3A_68 = vector.extract_strided_slice %get3A_33 {offsets = [1], sizes = [1], strides = [1]} : vector<16xi32> to vector<1xi32>
        %squeeze3A_69 = vector.extract %slice3A_68[0] : i32 from vector<1xi32>
        %dma_start3A_70 = arith.constant 0 : i32
        %dma_start3A_71 = tpu.memref_slice %arg7[%add3A_67, %dma_start3A_70] : memref<256x32xf32, #tpu.memory_space<vmem>> -> memref<1x32xf32, #tpu.memory_space<vmem>>
        %dma_start3A_72 = arith.constant 0 : i32
        %dma_start3A_73 = tpu.memref_slice %arg3[%squeeze3A_69, %dma_start3A_72] : memref<1000000x32xf32, #tpu.memory_space<hbm>> -> memref<1x32xf32, #tpu.memory_space<hbm>>
        %dma_start3A_74 = arith.constant 0 : i32
        %dma_start3A_75 = tpu.memref_slice %arg7[%add3A_67, %dma_start3A_74] : memref<256x32xf32, #tpu.memory_space<vmem>> -> memref<1x32xf32, #tpu.memory_space<vmem>>
        %dma_start3A_76 = arith.constant 0 : i32
        %dma_start3A_77 = tpu.memref_slice %arg3[%squeeze3A_69, %dma_start3A_76] : memref<1000000x32xf32, #tpu.memory_space<hbm>> -> memref<1x32xf32, #tpu.memory_space<hbm>>
        tpu.enqueue_dma source(%dma_start3A_77 : memref<1x32xf32, #tpu.memory_space<hbm>>) target(%dma_start3A_75 : memref<1x32xf32, #tpu.memory_space<vmem>>) target_semaphore(%arg10 : memref<!tpu.dma_semaphore, #tpu.memory_space<semaphore_mem>>)
        %slice3A_78 = vector.extract_strided_slice %get3A_42 {offsets = [1], sizes = [1], strides = [1]} : vector<16xi32> to vector<1xi32>
        %squeeze3A_79 = vector.extract %slice3A_78[0] : i32 from vector<1xi32>
        %dma_start3A_80 = arith.constant 0 : i32
        %dma_start3A_81 = tpu.memref_slice %arg8[%add3A_67, %dma_start3A_80] : memref<256x32xf32, #tpu.memory_space<vmem>> -> memref<1x32xf32, #tpu.memory_space<vmem>>
        %dma_start3A_82 = arith.constant 0 : i32
        %dma_start3A_83 = tpu.memref_slice %arg4[%squeeze3A_79, %dma_start3A_82] : memref<1000000x32xf32, #tpu.memory_space<hbm>> -> memref<1x32xf32, #tpu.memory_space<hbm>>
        %dma_start3A_84 = arith.constant 0 : i32
        %dma_start3A_85 = tpu.memref_slice %arg8[%add3A_67, %dma_start3A_84] : memref<256x32xf32, #tpu.memory_space<vmem>> -> memref<1x32xf32, #tpu.memory_space<vmem>>
        %dma_start3A_86 = arith.constant 0 : i32
        %dma_start3A_87 = tpu.memref_slice %arg4[%squeeze3A_79, %dma_start3A_86] : memref<1000000x32xf32, #tpu.memory_space<hbm>> -> memref<1x32xf32, #tpu.memory_space<hbm>>
        tpu.enqueue_dma source(%dma_start3A_87 : memref<1x32xf32, #tpu.memory_space<hbm>>) target(%dma_start3A_85 : memref<1x32xf32, #tpu.memory_space<vmem>>) target_semaphore(%arg10 : memref<!tpu.dma_semaphore, #tpu.memory_space<semaphore_mem>>)
        %mul3A_88 = arith.constant 16 : i32
        %mul3A_89 = arith.muli %scan3A_25, %mul3A_88 : i32
        %add3A_90 = arith.constant 2 : i32
        %add3A_91 = arith.addi %mul3A_89, %add3A_90 : i32
        %slice3A_92 = vector.extract_strided_slice %get3A_33 {offsets = [2], sizes = [1], strides = [1]} : vector<16xi32> to vector<1xi32>
        %squeeze3A_93 = vector.extract %slice3A_92[0] : i32 from vector<1xi32>
        %dma_start3A_94 = arith.constant 0 : i32
        %dma_start3A_95 = tpu.memref_slice %arg7[%add3A_91, %dma_start3A_94] : memref<256x32xf32, #tpu.memory_space<vmem>> -> memref<1x32xf32, #tpu.memory_space<vmem>>
        %dma_start3A_96 = arith.constant 0 : i32
        %dma_start3A_97 = tpu.memref_slice %arg3[%squeeze3A_93, %dma_start3A_96] : memref<1000000x32xf32, #tpu.memory_space<hbm>> -> memref<1x32xf32, #tpu.memory_space<hbm>>
        %dma_start3A_98 = arith.constant 0 : i32
        %dma_start3A_99 = tpu.memref_slice %arg7[%add3A_91, %dma_start3A_98] : memref<256x32xf32, #tpu.memory_space<vmem>> -> memref<1x32xf32, #tpu.memory_space<vmem>>
        %dma_start3A_100 = arith.constant 0 : i32
        %dma_start3A_101 = tpu.memref_slice %arg3[%squeeze3A_93, %dma_start3A_100] : memref<1000000x32xf32, #tpu.memory_space<hbm>> -> memref<1x32xf32, #tpu.memory_space<hbm>>
        tpu.enqueue_dma source(%dma_start3A_101 : memref<1x32xf32, #tpu.memory_space<hbm>>) target(%dma_start3A_99 : memref<1x32xf32, #tpu.memory_space<vmem>>) target_semaphore(%arg10 : memref<!tpu.dma_semaphore, #tpu.memory_space<semaphore_mem>>)
        %slice3A_102 = vector.extract_strided_slice %get3A_42 {offsets = [2], sizes = [1], strides = [1]} : vector<16xi32> to vector<1xi32>
        %squeeze3A_103 = vector.extract %slice3A_102[0] : i32 from vector<1xi32>
        %dma_start3A_104 = arith.constant 0 : i32
        %dma_start3A_105 = tpu.memref_slice %arg8[%add3A_91, %dma_start3A_104] : memref<256x32xf32, #tpu.memory_space<vmem>> -> memref<1x32xf32, #tpu.memory_space<vmem>>
        %dma_start3A_106 = arith.constant 0 : i32
        %dma_start3A_107 = tpu.memref_slice %arg4[%squeeze3A_103, %dma_start3A_106] : memref<1000000x32xf32, #tpu.memory_space<hbm>> -> memref<1x32xf32, #tpu.memory_space<hbm>>
        %dma_start3A_108 = arith.constant 0 : i32
        %dma_start3A_109 = tpu.memref_slice %arg8[%add3A_91, %dma_start3A_108] : memref<256x32xf32, #tpu.memory_space<vmem>> -> memref<1x32xf32, #tpu.memory_space<vmem>>
        %dma_start3A_110 = arith.constant 0 : i32
        %dma_start3A_111 = tpu.memref_slice %arg4[%squeeze3A_103, %dma_start3A_110] : memref<1000000x32xf32, #tpu.memory_space<hbm>> -> memref<1x32xf32, #tpu.memory_space<hbm>>
        tpu.enqueue_dma source(%dma_start3A_111 : memref<1x32xf32, #tpu.memory_space<hbm>>) target(%dma_start3A_109 : memref<1x32xf32, #tpu.memory_space<vmem>>) target_semaphore(%arg10 : memref<!tpu.dma_semaphore, #tpu.memory_space<semaphore_mem>>)
        %mul3A_112 = arith.constant 16 : i32
        %mul3A_113 = arith.muli %scan3A_25, %mul3A_112 : i32
        %add3A_114 = arith.constant 3 : i32
        %add3A_115 = arith.addi %mul3A_113, %add3A_114 : i32
        %slice3A_116 = vector.extract_strided_slice %get3A_33 {offsets = [3], sizes = [1], strides = [1]} : vector<16xi32> to vector<1xi32>
        %squeeze3A_117 = vector.extract %slice3A_116[0] : i32 from vector<1xi32>
        %dma_start3A_118 = arith.constant 0 : i32
        %dma_start3A_119 = tpu.memref_slice %arg7[%add3A_115, %dma_start3A_118] : memref<256x32xf32, #tpu.memory_space<vmem>> -> memref<1x32xf32, #tpu.memory_space<vmem>>
        %dma_start3A_120 = arith.constant 0 : i32
        %dma_start3A_121 = tpu.memref_slice %arg3[%squeeze3A_117, %dma_start3A_120] : memref<1000000x32xf32, #tpu.memory_space<hbm>> -> memref<1x32xf32, #tpu.memory_space<hbm>>
        %dma_start3A_122 = arith.constant 0 : i32
        %dma_start3A_123 = tpu.memref_slice %arg7[%add3A_115, %dma_start3A_122] : memref<256x32xf32, #tpu.memory_space<vmem>> -> memref<1x32xf32, #tpu.memory_space<vmem>>
        %dma_start3A_124 = arith.constant 0 : i32
        %dma_start3A_125 = tpu.memref_slice %arg3[%squeeze3A_117, %dma_start3A_124] : memref<1000000x32xf32, #tpu.memory_space<hbm>> -> memref<1x32xf32, #tpu.memory_space<hbm>>
        tpu.enqueue_dma source(%dma_start3A_125 : memref<1x32xf32, #tpu.memory_space<hbm>>) target(%dma_start3A_123 : memref<1x32xf32, #tpu.memory_space<vmem>>) target_semaphore(%arg10 : memref<!tpu.dma_semaphore, #tpu.memory_space<semaphore_mem>>)
        %slice3A_126 = vector.extract_strided_slice %get3A_42 {offsets = [3], sizes = [1], strides = [1]} : vector<16xi32> to vector<1xi32>
        %squeeze3A_127 = vector.extract %slice3A_126[0] : i32 from vector<1xi32>
        %dma_start3A_128 = arith.constant 0 : i32
        %dma_start3A_129 = tpu.memref_slice %arg8[%add3A_115, %dma_start3A_128] : memref<256x32xf32, #tpu.memory_space<vmem>> -> memref<1x32xf32, #tpu.memory_space<vmem>>
        %dma_start3A_130 = arith.constant 0 : i32
        %dma_start3A_131 = tpu.memref_slice %arg4[%squeeze3A_127, %dma_start3A_130] : memref<1000000x32xf32, #tpu.memory_space<hbm>> -> memref<1x32xf32, #tpu.memory_space<hbm>>
        %dma_start3A_132 = arith.constant 0 : i32
        %dma_start3A_133 = tpu.memref_slice %arg8[%add3A_115, %dma_start3A_132] : memref<256x32xf32, #tpu.memory_space<vmem>> -> memref<1x32xf32, #tpu.memory_space<vmem>>
        %dma_start3A_134 = arith.constant 0 : i32
        %dma_start3A_135 = tpu.memref_slice %arg4[%squeeze3A_127, %dma_start3A_134] : memref<1000000x32xf32, #tpu.memory_space<hbm>> -> memref<1x32xf32, #tpu.memory_space<hbm>>
        tpu.enqueue_dma source(%dma_start3A_135 : memref<1x32xf32, #tpu.memory_space<hbm>>) target(%dma_start3A_133 : memref<1x32xf32, #tpu.memory_space<vmem>>) target_semaphore(%arg10 : memref<!tpu.dma_semaphore, #tpu.memory_space<semaphore_mem>>)
        %mul3A_136 = arith.constant 16 : i32
        %mul3A_137 = arith.muli %scan3A_25, %mul3A_136 : i32
        %add3A_138 = arith.constant 4 : i32
        %add3A_139 = arith.addi %mul3A_137, %add3A_138 : i32
        %slice3A_140 = vector.extract_strided_slice %get3A_33 {offsets = [4], sizes = [1], strides = [1]} : vector<16xi32> to vector<1xi32>
        %squeeze3A_141 = vector.extract %slice3A_140[0] : i32 from vector<1xi32>
        %dma_start3A_142 = arith.constant 0 : i32
        %dma_start3A_143 = tpu.memref_slice %arg7[%add3A_139, %dma_start3A_142] : memref<256x32xf32, #tpu.memory_space<vmem>> -> memref<1x32xf32, #tpu.memory_space<vmem>>
        %dma_start3A_144 = arith.constant 0 : i32
        %dma_start3A_145 = tpu.memref_slice %arg3[%squeeze3A_141, %dma_start3A_144] : memref<1000000x32xf32, #tpu.memory_space<hbm>> -> memref<1x32xf32, #tpu.memory_space<hbm>>
        %dma_start3A_146 = arith.constant 0 : i32
        %dma_start3A_147 = tpu.memref_slice %arg7[%add3A_139, %dma_start3A_146] : memref<256x32xf32, #tpu.memory_space<vmem>> -> memref<1x32xf32, #tpu.memory_space<vmem>>
        %dma_start3A_148 = arith.constant 0 : i32
        %dma_start3A_149 = tpu.memref_slice %arg3[%squeeze3A_141, %dma_start3A_148] : memref<1000000x32xf32, #tpu.memory_space<hbm>> -> memref<1x32xf32, #tpu.memory_space<hbm>>
        tpu.enqueue_dma source(%dma_start3A_149 : memref<1x32xf32, #tpu.memory_space<hbm>>) target(%dma_start3A_147 : memref<1x32xf32, #tpu.memory_space<vmem>>) target_semaphore(%arg10 : memref<!tpu.dma_semaphore, #tpu.memory_space<semaphore_mem>>)
        %slice3A_150 = vector.extract_strided_slice %get3A_42 {offsets = [4], sizes = [1], strides = [1]} : vector<16xi32> to vector<1xi32>
        %squeeze3A_151 = vector.extract %slice3A_150[0] : i32 from vector<1xi32>
        %dma_start3A_152 = arith.constant 0 : i32
        %dma_start3A_153 = tpu.memref_slice %arg8[%add3A_139, %dma_start3A_152] : memref<256x32xf32, #tpu.memory_space<vmem>> -> memref<1x32xf32, #tpu.memory_space<vmem>>
        %dma_start3A_154 = arith.constant 0 : i32
        %dma_start3A_155 = tpu.memref_slice %arg4[%squeeze3A_151, %dma_start3A_154] : memref<1000000x32xf32, #tpu.memory_space<hbm>> -> memref<1x32xf32, #tpu.memory_space<hbm>>
        %dma_start3A_156 = arith.constant 0 : i32
        %dma_start3A_157 = tpu.memref_slice %arg8[%add3A_139, %dma_start3A_156] : memref<256x32xf32, #tpu.memory_space<vmem>> -> memref<1x32xf32, #tpu.memory_space<vmem>>
        %dma_start3A_158 = arith.constant 0 : i32
        %dma_start3A_159 = tpu.memref_slice %arg4[%squeeze3A_151, %dma_start3A_158] : memref<1000000x32xf32, #tpu.memory_space<hbm>> -> memref<1x32xf32, #tpu.memory_space<hbm>>
        tpu.enqueue_dma source(%dma_start3A_159 : memref<1x32xf32, #tpu.memory_space<hbm>>) target(%dma_start3A_157 : memref<1x32xf32, #tpu.memory_space<vmem>>) target_semaphore(%arg10 : memref<!tpu.dma_semaphore, #tpu.memory_space<semaphore_mem>>)
        %mul3A_160 = arith.constant 16 : i32
        %mul3A_161 = arith.muli %scan3A_25, %mul3A_160 : i32
        %add3A_162 = arith.constant 5 : i32
        %add3A_163 = arith.addi %mul3A_161, %add3A_162 : i32
        %slice3A_164 = vector.extract_strided_slice %get3A_33 {offsets = [5], sizes = [1], strides = [1]} : vector<16xi32> to vector<1xi32>
        %squeeze3A_165 = vector.extract %slice3A_164[0] : i32 from vector<1xi32>
        %dma_start3A_166 = arith.constant 0 : i32
        %dma_start3A_167 = tpu.memref_slice %arg7[%add3A_163, %dma_start3A_166] : memref<256x32xf32, #tpu.memory_space<vmem>> -> memref<1x32xf32, #tpu.memory_space<vmem>>
        %dma_start3A_168 = arith.constant 0 : i32
        %dma_start3A_169 = tpu.memref_slice %arg3[%squeeze3A_165, %dma_start3A_168] : memref<1000000x32xf32, #tpu.memory_space<hbm>> -> memref<1x32xf32, #tpu.memory_space<hbm>>
        %dma_start3A_170 = arith.constant 0 : i32
        %dma_start3A_171 = tpu.memref_slice %arg7[%add3A_163, %dma_start3A_170] : memref<256x32xf32, #tpu.memory_space<vmem>> -> memref<1x32xf32, #tpu.memory_space<vmem>>
        %dma_start3A_172 = arith.constant 0 : i32
        %dma_start3A_173 = tpu.memref_slice %arg3[%squeeze3A_165, %dma_start3A_172] : memref<1000000x32xf32, #tpu.memory_space<hbm>> -> memref<1x32xf32, #tpu.memory_space<hbm>>
        tpu.enqueue_dma source(%dma_start3A_173 : memref<1x32xf32, #tpu.memory_space<hbm>>) target(%dma_start3A_171 : memref<1x32xf32, #tpu.memory_space<vmem>>) target_semaphore(%arg10 : memref<!tpu.dma_semaphore, #tpu.memory_space<semaphore_mem>>)
        %slice3A_174 = vector.extract_strided_slice %get3A_42 {offsets = [5], sizes = [1], strides = [1]} : vector<16xi32> to vector<1xi32>
        %squeeze3A_175 = vector.extract %slice3A_174[0] : i32 from vector<1xi32>
        %dma_start3A_176 = arith.constant 0 : i32
        %dma_start3A_177 = tpu.memref_slice %arg8[%add3A_163, %dma_start3A_176] : memref<256x32xf32, #tpu.memory_space<vmem>> -> memref<1x32xf32, #tpu.memory_space<vmem>>
        %dma_start3A_178 = arith.constant 0 : i32
        %dma_start3A_179 = tpu.memref_slice %arg4[%squeeze3A_175, %dma_start3A_178] : memref<1000000x32xf32, #tpu.memory_space<hbm>> -> memref<1x32xf32, #tpu.memory_space<hbm>>
        %dma_start3A_180 = arith.constant 0 : i32
        %dma_start3A_181 = tpu.memref_slice %arg8[%add3A_163, %dma_start3A_180] : memref<256x32xf32, #tpu.memory_space<vmem>> -> memref<1x32xf32, #tpu.memory_space<vmem>>
        %dma_start3A_182 = arith.constant 0 : i32
        %dma_start3A_183 = tpu.memref_slice %arg4[%squeeze3A_175, %dma_start3A_182] : memref<1000000x32xf32, #tpu.memory_space<hbm>> -> memref<1x32xf32, #tpu.memory_space<hbm>>
        tpu.enqueue_dma source(%dma_start3A_183 : memref<1x32xf32, #tpu.memory_space<hbm>>) target(%dma_start3A_181 : memref<1x32xf32, #tpu.memory_space<vmem>>) target_semaphore(%arg10 : memref<!tpu.dma_semaphore, #tpu.memory_space<semaphore_mem>>)
        %mul3A_184 = arith.constant 16 : i32
        %mul3A_185 = arith.muli %scan3A_25, %mul3A_184 : i32
        %add3A_186 = arith.constant 6 : i32
        %add3A_187 = arith.addi %mul3A_185, %add3A_186 : i32
        %slice3A_188 = vector.extract_strided_slice %get3A_33 {offsets = [6], sizes = [1], strides = [1]} : vector<16xi32> to vector<1xi32>
        %squeeze3A_189 = vector.extract %slice3A_188[0] : i32 from vector<1xi32>
        %dma_start3A_190 = arith.constant 0 : i32
        %dma_start3A_191 = tpu.memref_slice %arg7[%add3A_187, %dma_start3A_190] : memref<256x32xf32, #tpu.memory_space<vmem>> -> memref<1x32xf32, #tpu.memory_space<vmem>>
        %dma_start3A_192 = arith.constant 0 : i32
        %dma_start3A_193 = tpu.memref_slice %arg3[%squeeze3A_189, %dma_start3A_192] : memref<1000000x32xf32, #tpu.memory_space<hbm>> -> memref<1x32xf32, #tpu.memory_space<hbm>>
        %dma_start3A_194 = arith.constant 0 : i32
        %dma_start3A_195 = tpu.memref_slice %arg7[%add3A_187, %dma_start3A_194] : memref<256x32xf32, #tpu.memory_space<vmem>> -> memref<1x32xf32, #tpu.memory_space<vmem>>
        %dma_start3A_196 = arith.constant 0 : i32
        %dma_start3A_197 = tpu.memref_slice %arg3[%squeeze3A_189, %dma_start3A_196] : memref<1000000x32xf32, #tpu.memory_space<hbm>> -> memref<1x32xf32, #tpu.memory_space<hbm>>
        tpu.enqueue_dma source(%dma_start3A_197 : memref<1x32xf32, #tpu.memory_space<hbm>>) target(%dma_start3A_195 : memref<1x32xf32, #tpu.memory_space<vmem>>) target_semaphore(%arg10 : memref<!tpu.dma_semaphore, #tpu.memory_space<semaphore_mem>>)
        %slice3A_198 = vector.extract_strided_slice %get3A_42 {offsets = [6], sizes = [1], strides = [1]} : vector<16xi32> to vector<1xi32>
        %squeeze3A_199 = vector.extract %slice3A_198[0] : i32 from vector<1xi32>
        %dma_start3A_200 = arith.constant 0 : i32
        %dma_start3A_201 = tpu.memref_slice %arg8[%add3A_187, %dma_start3A_200] : memref<256x32xf32, #tpu.memory_space<vmem>> -> memref<1x32xf32, #tpu.memory_space<vmem>>
        %dma_start3A_202 = arith.constant 0 : i32
        %dma_start3A_203 = tpu.memref_slice %arg4[%squeeze3A_199, %dma_start3A_202] : memref<1000000x32xf32, #tpu.memory_space<hbm>> -> memref<1x32xf32, #tpu.memory_space<hbm>>
        %dma_start3A_204 = arith.constant 0 : i32
        %dma_start3A_205 = tpu.memref_slice %arg8[%add3A_187, %dma_start3A_204] : memref<256x32xf32, #tpu.memory_space<vmem>> -> memref<1x32xf32, #tpu.memory_space<vmem>>
        %dma_start3A_206 = arith.constant 0 : i32
        %dma_start3A_207 = tpu.memref_slice %arg4[%squeeze3A_199, %dma_start3A_206] : memref<1000000x32xf32, #tpu.memory_space<hbm>> -> memref<1x32xf32, #tpu.memory_space<hbm>>
        tpu.enqueue_dma source(%dma_start3A_207 : memref<1x32xf32, #tpu.memory_space<hbm>>) target(%dma_start3A_205 : memref<1x32xf32, #tpu.memory_space<vmem>>) target_semaphore(%arg10 : memref<!tpu.dma_semaphore, #tpu.memory_space<semaphore_mem>>)
        %mul3A_208 = arith.constant 16 : i32
        %mul3A_209 = arith.muli %scan3A_25, %mul3A_208 : i32
        %add3A_210 = arith.constant 7 : i32
        %add3A_211 = arith.addi %mul3A_209, %add3A_210 : i32
        %slice3A_212 = vector.extract_strided_slice %get3A_33 {offsets = [7], sizes = [1], strides = [1]} : vector<16xi32> to vector<1xi32>
        %squeeze3A_213 = vector.extract %slice3A_212[0] : i32 from vector<1xi32>
        %dma_start3A_214 = arith.constant 0 : i32
        %dma_start3A_215 = tpu.memref_slice %arg7[%add3A_211, %dma_start3A_214] : memref<256x32xf32, #tpu.memory_space<vmem>> -> memref<1x32xf32, #tpu.memory_space<vmem>>
        %dma_start3A_216 = arith.constant 0 : i32
        %dma_start3A_217 = tpu.memref_slice %arg3[%squeeze3A_213, %dma_start3A_216] : memref<1000000x32xf32, #tpu.memory_space<hbm>> -> memref<1x32xf32, #tpu.memory_space<hbm>>
        %dma_start3A_218 = arith.constant 0 : i32
        %dma_start3A_219 = tpu.memref_slice %arg7[%add3A_211, %dma_start3A_218] : memref<256x32xf32, #tpu.memory_space<vmem>> -> memref<1x32xf32, #tpu.memory_space<vmem>>
        %dma_start3A_220 = arith.constant 0 : i32
        %dma_start3A_221 = tpu.memref_slice %arg3[%squeeze3A_213, %dma_start3A_220] : memref<1000000x32xf32, #tpu.memory_space<hbm>> -> memref<1x32xf32, #tpu.memory_space<hbm>>
        tpu.enqueue_dma source(%dma_start3A_221 : memref<1x32xf32, #tpu.memory_space<hbm>>) target(%dma_start3A_219 : memref<1x32xf32, #tpu.memory_space<vmem>>) target_semaphore(%arg10 : memref<!tpu.dma_semaphore, #tpu.memory_space<semaphore_mem>>)
        %slice3A_222 = vector.extract_strided_slice %get3A_42 {offsets = [7], sizes = [1], strides = [1]} : vector<16xi32> to vector<1xi32>
        %squeeze3A_223 = vector.extract %slice3A_222[0] : i32 from vector<1xi32>
        %dma_start3A_224 = arith.constant 0 : i32
        %dma_start3A_225 = tpu.memref_slice %arg8[%add3A_211, %dma_start3A_224] : memref<256x32xf32, #tpu.memory_space<vmem>> -> memref<1x32xf32, #tpu.memory_space<vmem>>
        %dma_start3A_226 = arith.constant 0 : i32
        %dma_start3A_227 = tpu.memref_slice %arg4[%squeeze3A_223, %dma_start3A_226] : memref<1000000x32xf32, #tpu.memory_space<hbm>> -> memref<1x32xf32, #tpu.memory_space<hbm>>
        %dma_start3A_228 = arith.constant 0 : i32
        %dma_start3A_229 = tpu.memref_slice %arg8[%add3A_211, %dma_start3A_228] : memref<256x32xf32, #tpu.memory_space<vmem>> -> memref<1x32xf32, #tpu.memory_space<vmem>>
        %dma_start3A_230 = arith.constant 0 : i32
        %dma_start3A_231 = tpu.memref_slice %arg4[%squeeze3A_223, %dma_start3A_230] : memref<1000000x32xf32, #tpu.memory_space<hbm>> -> memref<1x32xf32, #tpu.memory_space<hbm>>
        tpu.enqueue_dma source(%dma_start3A_231 : memref<1x32xf32, #tpu.memory_space<hbm>>) target(%dma_start3A_229 : memref<1x32xf32, #tpu.memory_space<vmem>>) target_semaphore(%arg10 : memref<!tpu.dma_semaphore, #tpu.memory_space<semaphore_mem>>)
        %mul3A_232 = arith.constant 16 : i32
        %mul3A_233 = arith.muli %scan3A_25, %mul3A_232 : i32
        %add3A_234 = arith.constant 8 : i32
        %add3A_235 = arith.addi %mul3A_233, %add3A_234 : i32
        %slice3A_236 = vector.extract_strided_slice %get3A_33 {offsets = [8], sizes = [1], strides = [1]} : vector<16xi32> to vector<1xi32>
        %squeeze3A_237 = vector.extract %slice3A_236[0] : i32 from vector<1xi32>
        %dma_start3A_238 = arith.constant 0 : i32
        %dma_start3A_239 = tpu.memref_slice %arg7[%add3A_235, %dma_start3A_238] : memref<256x32xf32, #tpu.memory_space<vmem>> -> memref<1x32xf32, #tpu.memory_space<vmem>>
        %dma_start3A_240 = arith.constant 0 : i32
        %dma_start3A_241 = tpu.memref_slice %arg3[%squeeze3A_237, %dma_start3A_240] : memref<1000000x32xf32, #tpu.memory_space<hbm>> -> memref<1x32xf32, #tpu.memory_space<hbm>>
        %dma_start3A_242 = arith.constant 0 : i32
        %dma_start3A_243 = tpu.memref_slice %arg7[%add3A_235, %dma_start3A_242] : memref<256x32xf32, #tpu.memory_space<vmem>> -> memref<1x32xf32, #tpu.memory_space<vmem>>
        %dma_start3A_244 = arith.constant 0 : i32
        %dma_start3A_245 = tpu.memref_slice %arg3[%squeeze3A_237, %dma_start3A_244] : memref<1000000x32xf32, #tpu.memory_space<hbm>> -> memref<1x32xf32, #tpu.memory_space<hbm>>
        tpu.enqueue_dma source(%dma_start3A_245 : memref<1x32xf32, #tpu.memory_space<hbm>>) target(%dma_start3A_243 : memref<1x32xf32, #tpu.memory_space<vmem>>) target_semaphore(%arg10 : memref<!tpu.dma_semaphore, #tpu.memory_space<semaphore_mem>>)
        %slice3A_246 = vector.extract_strided_slice %get3A_42 {offsets = [8], sizes = [1], strides = [1]} : vector<16xi32> to vector<1xi32>
        %squeeze3A_247 = vector.extract %slice3A_246[0] : i32 from vector<1xi32>
        %dma_start3A_248 = arith.constant 0 : i32
        %dma_start3A_249 = tpu.memref_slice %arg8[%add3A_235, %dma_start3A_248] : memref<256x32xf32, #tpu.memory_space<vmem>> -> memref<1x32xf32, #tpu.memory_space<vmem>>
        %dma_start3A_250 = arith.constant 0 : i32
        %dma_start3A_251 = tpu.memref_slice %arg4[%squeeze3A_247, %dma_start3A_250] : memref<1000000x32xf32, #tpu.memory_space<hbm>> -> memref<1x32xf32, #tpu.memory_space<hbm>>
        %dma_start3A_252 = arith.constant 0 : i32
        %dma_start3A_253 = tpu.memref_slice %arg8[%add3A_235, %dma_start3A_252] : memref<256x32xf32, #tpu.memory_space<vmem>> -> memref<1x32xf32, #tpu.memory_space<vmem>>
        %dma_start3A_254 = arith.constant 0 : i32
        %dma_start3A_255 = tpu.memref_slice %arg4[%squeeze3A_247, %dma_start3A_254] : memref<1000000x32xf32, #tpu.memory_space<hbm>> -> memref<1x32xf32, #tpu.memory_space<hbm>>
        tpu.enqueue_dma source(%dma_start3A_255 : memref<1x32xf32, #tpu.memory_space<hbm>>) target(%dma_start3A_253 : memref<1x32xf32, #tpu.memory_space<vmem>>) target_semaphore(%arg10 : memref<!tpu.dma_semaphore, #tpu.memory_space<semaphore_mem>>)
        %mul3A_256 = arith.constant 16 : i32
        %mul3A_257 = arith.muli %scan3A_25, %mul3A_256 : i32
        %add3A_258 = arith.constant 9 : i32
        %add3A_259 = arith.addi %mul3A_257, %add3A_258 : i32
        %slice3A_260 = vector.extract_strided_slice %get3A_33 {offsets = [9], sizes = [1], strides = [1]} : vector<16xi32> to vector<1xi32>
        %squeeze3A_261 = vector.extract %slice3A_260[0] : i32 from vector<1xi32>
        %dma_start3A_262 = arith.constant 0 : i32
        %dma_start3A_263 = tpu.memref_slice %arg7[%add3A_259, %dma_start3A_262] : memref<256x32xf32, #tpu.memory_space<vmem>> -> memref<1x32xf32, #tpu.memory_space<vmem>>
        %dma_start3A_264 = arith.constant 0 : i32
        %dma_start3A_265 = tpu.memref_slice %arg3[%squeeze3A_261, %dma_start3A_264] : memref<1000000x32xf32, #tpu.memory_space<hbm>> -> memref<1x32xf32, #tpu.memory_space<hbm>>
        %dma_start3A_266 = arith.constant 0 : i32
        %dma_start3A_267 = tpu.memref_slice %arg7[%add3A_259, %dma_start3A_266] : memref<256x32xf32, #tpu.memory_space<vmem>> -> memref<1x32xf32, #tpu.memory_space<vmem>>
        %dma_start3A_268 = arith.constant 0 : i32
        %dma_start3A_269 = tpu.memref_slice %arg3[%squeeze3A_261, %dma_start3A_268] : memref<1000000x32xf32, #tpu.memory_space<hbm>> -> memref<1x32xf32, #tpu.memory_space<hbm>>
        tpu.enqueue_dma source(%dma_start3A_269 : memref<1x32xf32, #tpu.memory_space<hbm>>) target(%dma_start3A_267 : memref<1x32xf32, #tpu.memory_space<vmem>>) target_semaphore(%arg10 : memref<!tpu.dma_semaphore, #tpu.memory_space<semaphore_mem>>)
        %slice3A_270 = vector.extract_strided_slice %get3A_42 {offsets = [9], sizes = [1], strides = [1]} : vector<16xi32> to vector<1xi32>
        %squeeze3A_271 = vector.extract %slice3A_270[0] : i32 from vector<1xi32>
        %dma_start3A_272 = arith.constant 0 : i32
        %dma_start3A_273 = tpu.memref_slice %arg8[%add3A_259, %dma_start3A_272] : memref<256x32xf32, #tpu.memory_space<vmem>> -> memref<1x32xf32, #tpu.memory_space<vmem>>
        %dma_start3A_274 = arith.constant 0 : i32
        %dma_start3A_275 = tpu.memref_slice %arg4[%squeeze3A_271, %dma_start3A_274] : memref<1000000x32xf32, #tpu.memory_space<hbm>> -> memref<1x32xf32, #tpu.memory_space<hbm>>
        %dma_start3A_276 = arith.constant 0 : i32
        %dma_start3A_277 = tpu.memref_slice %arg8[%add3A_259, %dma_start3A_276] : memref<256x32xf32, #tpu.memory_space<vmem>> -> memref<1x32xf32, #tpu.memory_space<vmem>>
        %dma_start3A_278 = arith.constant 0 : i32
        %dma_start3A_279 = tpu.memref_slice %arg4[%squeeze3A_271, %dma_start3A_278] : memref<1000000x32xf32, #tpu.memory_space<hbm>> -> memref<1x32xf32, #tpu.memory_space<hbm>>
        tpu.enqueue_dma source(%dma_start3A_279 : memref<1x32xf32, #tpu.memory_space<hbm>>) target(%dma_start3A_277 : memref<1x32xf32, #tpu.memory_space<vmem>>) target_semaphore(%arg10 : memref<!tpu.dma_semaphore, #tpu.memory_space<semaphore_mem>>)
        %mul3A_280 = arith.constant 16 : i32
        %mul3A_281 = arith.muli %scan3A_25, %mul3A_280 : i32
        %add3A_282 = arith.constant 10 : i32
        %add3A_283 = arith.addi %mul3A_281, %add3A_282 : i32
        %slice3A_284 = vector.extract_strided_slice %get3A_33 {offsets = [10], sizes = [1], strides = [1]} : vector<16xi32> to vector<1xi32>
        %squeeze3A_285 = vector.extract %slice3A_284[0] : i32 from vector<1xi32>
        %dma_start3A_286 = arith.constant 0 : i32
        %dma_start3A_287 = tpu.memref_slice %arg7[%add3A_283, %dma_start3A_286] : memref<256x32xf32, #tpu.memory_space<vmem>> -> memref<1x32xf32, #tpu.memory_space<vmem>>
        %dma_start3A_288 = arith.constant 0 : i32
        %dma_start3A_289 = tpu.memref_slice %arg3[%squeeze3A_285, %dma_start3A_288] : memref<1000000x32xf32, #tpu.memory_space<hbm>> -> memref<1x32xf32, #tpu.memory_space<hbm>>
        %dma_start3A_290 = arith.constant 0 : i32
        %dma_start3A_291 = tpu.memref_slice %arg7[%add3A_283, %dma_start3A_290] : memref<256x32xf32, #tpu.memory_space<vmem>> -> memref<1x32xf32, #tpu.memory_space<vmem>>
        %dma_start3A_292 = arith.constant 0 : i32
        %dma_start3A_293 = tpu.memref_slice %arg3[%squeeze3A_285, %dma_start3A_292] : memref<1000000x32xf32, #tpu.memory_space<hbm>> -> memref<1x32xf32, #tpu.memory_space<hbm>>
        tpu.enqueue_dma source(%dma_start3A_293 : memref<1x32xf32, #tpu.memory_space<hbm>>) target(%dma_start3A_291 : memref<1x32xf32, #tpu.memory_space<vmem>>) target_semaphore(%arg10 : memref<!tpu.dma_semaphore, #tpu.memory_space<semaphore_mem>>)
        %slice3A_294 = vector.extract_strided_slice %get3A_42 {offsets = [10], sizes = [1], strides = [1]} : vector<16xi32> to vector<1xi32>
        %squeeze3A_295 = vector.extract %slice3A_294[0] : i32 from vector<1xi32>
        %dma_start3A_296 = arith.constant 0 : i32
        %dma_start3A_297 = tpu.memref_slice %arg8[%add3A_283, %dma_start3A_296] : memref<256x32xf32, #tpu.memory_space<vmem>> -> memref<1x32xf32, #tpu.memory_space<vmem>>
        %dma_start3A_298 = arith.constant 0 : i32
        %dma_start3A_299 = tpu.memref_slice %arg4[%squeeze3A_295, %dma_start3A_298] : memref<1000000x32xf32, #tpu.memory_space<hbm>> -> memref<1x32xf32, #tpu.memory_space<hbm>>
        %dma_start3A_300 = arith.constant 0 : i32
        %dma_start3A_301 = tpu.memref_slice %arg8[%add3A_283, %dma_start3A_300] : memref<256x32xf32, #tpu.memory_space<vmem>> -> memref<1x32xf32, #tpu.memory_space<vmem>>
        %dma_start3A_302 = arith.constant 0 : i32
        %dma_start3A_303 = tpu.memref_slice %arg4[%squeeze3A_295, %dma_start3A_302] : memref<1000000x32xf32, #tpu.memory_space<hbm>> -> memref<1x32xf32, #tpu.memory_space<hbm>>
        tpu.enqueue_dma source(%dma_start3A_303 : memref<1x32xf32, #tpu.memory_space<hbm>>) target(%dma_start3A_301 : memref<1x32xf32, #tpu.memory_space<vmem>>) target_semaphore(%arg10 : memref<!tpu.dma_semaphore, #tpu.memory_space<semaphore_mem>>)
        %mul3A_304 = arith.constant 16 : i32
        %mul3A_305 = arith.muli %scan3A_25, %mul3A_304 : i32
        %add3A_306 = arith.constant 11 : i32
        %add3A_307 = arith.addi %mul3A_305, %add3A_306 : i32
        %slice3A_308 = vector.extract_strided_slice %get3A_33 {offsets = [11], sizes = [1], strides = [1]} : vector<16xi32> to vector<1xi32>
        %squeeze3A_309 = vector.extract %slice3A_308[0] : i32 from vector<1xi32>
        %dma_start3A_310 = arith.constant 0 : i32
        %dma_start3A_311 = tpu.memref_slice %arg7[%add3A_307, %dma_start3A_310] : memref<256x32xf32, #tpu.memory_space<vmem>> -> memref<1x32xf32, #tpu.memory_space<vmem>>
        %dma_start3A_312 = arith.constant 0 : i32
        %dma_start3A_313 = tpu.memref_slice %arg3[%squeeze3A_309, %dma_start3A_312] : memref<1000000x32xf32, #tpu.memory_space<hbm>> -> memref<1x32xf32, #tpu.memory_space<hbm>>
        %dma_start3A_314 = arith.constant 0 : i32
        %dma_start3A_315 = tpu.memref_slice %arg7[%add3A_307, %dma_start3A_314] : memref<256x32xf32, #tpu.memory_space<vmem>> -> memref<1x32xf32, #tpu.memory_space<vmem>>
        %dma_start3A_316 = arith.constant 0 : i32
        %dma_start3A_317 = tpu.memref_slice %arg3[%squeeze3A_309, %dma_start3A_316] : memref<1000000x32xf32, #tpu.memory_space<hbm>> -> memref<1x32xf32, #tpu.memory_space<hbm>>
        tpu.enqueue_dma source(%dma_start3A_317 : memref<1x32xf32, #tpu.memory_space<hbm>>) target(%dma_start3A_315 : memref<1x32xf32, #tpu.memory_space<vmem>>) target_semaphore(%arg10 : memref<!tpu.dma_semaphore, #tpu.memory_space<semaphore_mem>>)
        %slice3A_318 = vector.extract_strided_slice %get3A_42 {offsets = [11], sizes = [1], strides = [1]} : vector<16xi32> to vector<1xi32>
        %squeeze3A_319 = vector.extract %slice3A_318[0] : i32 from vector<1xi32>
        %dma_start3A_320 = arith.constant 0 : i32
        %dma_start3A_321 = tpu.memref_slice %arg8[%add3A_307, %dma_start3A_320] : memref<256x32xf32, #tpu.memory_space<vmem>> -> memref<1x32xf32, #tpu.memory_space<vmem>>
        %dma_start3A_322 = arith.constant 0 : i32
        %dma_start3A_323 = tpu.memref_slice %arg4[%squeeze3A_319, %dma_start3A_322] : memref<1000000x32xf32, #tpu.memory_space<hbm>> -> memref<1x32xf32, #tpu.memory_space<hbm>>
        %dma_start3A_324 = arith.constant 0 : i32
        %dma_start3A_325 = tpu.memref_slice %arg8[%add3A_307, %dma_start3A_324] : memref<256x32xf32, #tpu.memory_space<vmem>> -> memref<1x32xf32, #tpu.memory_space<vmem>>
        %dma_start3A_326 = arith.constant 0 : i32
        %dma_start3A_327 = tpu.memref_slice %arg4[%squeeze3A_319, %dma_start3A_326] : memref<1000000x32xf32, #tpu.memory_space<hbm>> -> memref<1x32xf32, #tpu.memory_space<hbm>>
        tpu.enqueue_dma source(%dma_start3A_327 : memref<1x32xf32, #tpu.memory_space<hbm>>) target(%dma_start3A_325 : memref<1x32xf32, #tpu.memory_space<vmem>>) target_semaphore(%arg10 : memref<!tpu.dma_semaphore, #tpu.memory_space<semaphore_mem>>)
        %mul3A_328 = arith.constant 16 : i32
        %mul3A_329 = arith.muli %scan3A_25, %mul3A_328 : i32
        %add3A_330 = arith.constant 12 : i32
        %add3A_331 = arith.addi %mul3A_329, %add3A_330 : i32
        %slice3A_332 = vector.extract_strided_slice %get3A_33 {offsets = [12], sizes = [1], strides = [1]} : vector<16xi32> to vector<1xi32>
        %squeeze3A_333 = vector.extract %slice3A_332[0] : i32 from vector<1xi32>
        %dma_start3A_334 = arith.constant 0 : i32
        %dma_start3A_335 = tpu.memref_slice %arg7[%add3A_331, %dma_start3A_334] : memref<256x32xf32, #tpu.memory_space<vmem>> -> memref<1x32xf32, #tpu.memory_space<vmem>>
        %dma_start3A_336 = arith.constant 0 : i32
        %dma_start3A_337 = tpu.memref_slice %arg3[%squeeze3A_333, %dma_start3A_336] : memref<1000000x32xf32, #tpu.memory_space<hbm>> -> memref<1x32xf32, #tpu.memory_space<hbm>>
        %dma_start3A_338 = arith.constant 0 : i32
        %dma_start3A_339 = tpu.memref_slice %arg7[%add3A_331, %dma_start3A_338] : memref<256x32xf32, #tpu.memory_space<vmem>> -> memref<1x32xf32, #tpu.memory_space<vmem>>
        %dma_start3A_340 = arith.constant 0 : i32
        %dma_start3A_341 = tpu.memref_slice %arg3[%squeeze3A_333, %dma_start3A_340] : memref<1000000x32xf32, #tpu.memory_space<hbm>> -> memref<1x32xf32, #tpu.memory_space<hbm>>
        tpu.enqueue_dma source(%dma_start3A_341 : memref<1x32xf32, #tpu.memory_space<hbm>>) target(%dma_start3A_339 : memref<1x32xf32, #tpu.memory_space<vmem>>) target_semaphore(%arg10 : memref<!tpu.dma_semaphore, #tpu.memory_space<semaphore_mem>>)
        %slice3A_342 = vector.extract_strided_slice %get3A_42 {offsets = [12], sizes = [1], strides = [1]} : vector<16xi32> to vector<1xi32>
        %squeeze3A_343 = vector.extract %slice3A_342[0] : i32 from vector<1xi32>
        %dma_start3A_344 = arith.constant 0 : i32
        %dma_start3A_345 = tpu.memref_slice %arg8[%add3A_331, %dma_start3A_344] : memref<256x32xf32, #tpu.memory_space<vmem>> -> memref<1x32xf32, #tpu.memory_space<vmem>>
        %dma_start3A_346 = arith.constant 0 : i32
        %dma_start3A_347 = tpu.memref_slice %arg4[%squeeze3A_343, %dma_start3A_346] : memref<1000000x32xf32, #tpu.memory_space<hbm>> -> memref<1x32xf32, #tpu.memory_space<hbm>>
        %dma_start3A_348 = arith.constant 0 : i32
        %dma_start3A_349 = tpu.memref_slice %arg8[%add3A_331, %dma_start3A_348] : memref<256x32xf32, #tpu.memory_space<vmem>> -> memref<1x32xf32, #tpu.memory_space<vmem>>
        %dma_start3A_350 = arith.constant 0 : i32
        %dma_start3A_351 = tpu.memref_slice %arg4[%squeeze3A_343, %dma_start3A_350] : memref<1000000x32xf32, #tpu.memory_space<hbm>> -> memref<1x32xf32, #tpu.memory_space<hbm>>
        tpu.enqueue_dma source(%dma_start3A_351 : memref<1x32xf32, #tpu.memory_space<hbm>>) target(%dma_start3A_349 : memref<1x32xf32, #tpu.memory_space<vmem>>) target_semaphore(%arg10 : memref<!tpu.dma_semaphore, #tpu.memory_space<semaphore_mem>>)
        %mul3A_352 = arith.constant 16 : i32
        %mul3A_353 = arith.muli %scan3A_25, %mul3A_352 : i32
        %add3A_354 = arith.constant 13 : i32
        %add3A_355 = arith.addi %mul3A_353, %add3A_354 : i32
        %slice3A_356 = vector.extract_strided_slice %get3A_33 {offsets = [13], sizes = [1], strides = [1]} : vector<16xi32> to vector<1xi32>
        %squeeze3A_357 = vector.extract %slice3A_356[0] : i32 from vector<1xi32>
        %dma_start3A_358 = arith.constant 0 : i32
        %dma_start3A_359 = tpu.memref_slice %arg7[%add3A_355, %dma_start3A_358] : memref<256x32xf32, #tpu.memory_space<vmem>> -> memref<1x32xf32, #tpu.memory_space<vmem>>
        %dma_start3A_360 = arith.constant 0 : i32
        %dma_start3A_361 = tpu.memref_slice %arg3[%squeeze3A_357, %dma_start3A_360] : memref<1000000x32xf32, #tpu.memory_space<hbm>> -> memref<1x32xf32, #tpu.memory_space<hbm>>
        %dma_start3A_362 = arith.constant 0 : i32
        %dma_start3A_363 = tpu.memref_slice %arg7[%add3A_355, %dma_start3A_362] : memref<256x32xf32, #tpu.memory_space<vmem>> -> memref<1x32xf32, #tpu.memory_space<vmem>>
        %dma_start3A_364 = arith.constant 0 : i32
        %dma_start3A_365 = tpu.memref_slice %arg3[%squeeze3A_357, %dma_start3A_364] : memref<1000000x32xf32, #tpu.memory_space<hbm>> -> memref<1x32xf32, #tpu.memory_space<hbm>>
        tpu.enqueue_dma source(%dma_start3A_365 : memref<1x32xf32, #tpu.memory_space<hbm>>) target(%dma_start3A_363 : memref<1x32xf32, #tpu.memory_space<vmem>>) target_semaphore(%arg10 : memref<!tpu.dma_semaphore, #tpu.memory_space<semaphore_mem>>)
        %slice3A_366 = vector.extract_strided_slice %get3A_42 {offsets = [13], sizes = [1], strides = [1]} : vector<16xi32> to vector<1xi32>
        %squeeze3A_367 = vector.extract %slice3A_366[0] : i32 from vector<1xi32>
        %dma_start3A_368 = arith.constant 0 : i32
        %dma_start3A_369 = tpu.memref_slice %arg8[%add3A_355, %dma_start3A_368] : memref<256x32xf32, #tpu.memory_space<vmem>> -> memref<1x32xf32, #tpu.memory_space<vmem>>
        %dma_start3A_370 = arith.constant 0 : i32
        %dma_start3A_371 = tpu.memref_slice %arg4[%squeeze3A_367, %dma_start3A_370] : memref<1000000x32xf32, #tpu.memory_space<hbm>> -> memref<1x32xf32, #tpu.memory_space<hbm>>
        %dma_start3A_372 = arith.constant 0 : i32
        %dma_start3A_373 = tpu.memref_slice %arg8[%add3A_355, %dma_start3A_372] : memref<256x32xf32, #tpu.memory_space<vmem>> -> memref<1x32xf32, #tpu.memory_space<vmem>>
        %dma_start3A_374 = arith.constant 0 : i32
        %dma_start3A_375 = tpu.memref_slice %arg4[%squeeze3A_367, %dma_start3A_374] : memref<1000000x32xf32, #tpu.memory_space<hbm>> -> memref<1x32xf32, #tpu.memory_space<hbm>>
        tpu.enqueue_dma source(%dma_start3A_375 : memref<1x32xf32, #tpu.memory_space<hbm>>) target(%dma_start3A_373 : memref<1x32xf32, #tpu.memory_space<vmem>>) target_semaphore(%arg10 : memref<!tpu.dma_semaphore, #tpu.memory_space<semaphore_mem>>)
        %mul3A_376 = arith.constant 16 : i32
        %mul3A_377 = arith.muli %scan3A_25, %mul3A_376 : i32
        %add3A_378 = arith.constant 14 : i32
        %add3A_379 = arith.addi %mul3A_377, %add3A_378 : i32
        %slice3A_380 = vector.extract_strided_slice %get3A_33 {offsets = [14], sizes = [1], strides = [1]} : vector<16xi32> to vector<1xi32>
        %squeeze3A_381 = vector.extract %slice3A_380[0] : i32 from vector<1xi32>
        %dma_start3A_382 = arith.constant 0 : i32
        %dma_start3A_383 = tpu.memref_slice %arg7[%add3A_379, %dma_start3A_382] : memref<256x32xf32, #tpu.memory_space<vmem>> -> memref<1x32xf32, #tpu.memory_space<vmem>>
        %dma_start3A_384 = arith.constant 0 : i32
        %dma_start3A_385 = tpu.memref_slice %arg3[%squeeze3A_381, %dma_start3A_384] : memref<1000000x32xf32, #tpu.memory_space<hbm>> -> memref<1x32xf32, #tpu.memory_space<hbm>>
        %dma_start3A_386 = arith.constant 0 : i32
        %dma_start3A_387 = tpu.memref_slice %arg7[%add3A_379, %dma_start3A_386] : memref<256x32xf32, #tpu.memory_space<vmem>> -> memref<1x32xf32, #tpu.memory_space<vmem>>
        %dma_start3A_388 = arith.constant 0 : i32
        %dma_start3A_389 = tpu.memref_slice %arg3[%squeeze3A_381, %dma_start3A_388] : memref<1000000x32xf32, #tpu.memory_space<hbm>> -> memref<1x32xf32, #tpu.memory_space<hbm>>
        tpu.enqueue_dma source(%dma_start3A_389 : memref<1x32xf32, #tpu.memory_space<hbm>>) target(%dma_start3A_387 : memref<1x32xf32, #tpu.memory_space<vmem>>) target_semaphore(%arg10 : memref<!tpu.dma_semaphore, #tpu.memory_space<semaphore_mem>>)
        %slice3A_390 = vector.extract_strided_slice %get3A_42 {offsets = [14], sizes = [1], strides = [1]} : vector<16xi32> to vector<1xi32>
        %squeeze3A_391 = vector.extract %slice3A_390[0] : i32 from vector<1xi32>
        %dma_start3A_392 = arith.constant 0 : i32
        %dma_start3A_393 = tpu.memref_slice %arg8[%add3A_379, %dma_start3A_392] : memref<256x32xf32, #tpu.memory_space<vmem>> -> memref<1x32xf32, #tpu.memory_space<vmem>>
        %dma_start3A_394 = arith.constant 0 : i32
        %dma_start3A_395 = tpu.memref_slice %arg4[%squeeze3A_391, %dma_start3A_394] : memref<1000000x32xf32, #tpu.memory_space<hbm>> -> memref<1x32xf32, #tpu.memory_space<hbm>>
        %dma_start3A_396 = arith.constant 0 : i32
        %dma_start3A_397 = tpu.memref_slice %arg8[%add3A_379, %dma_start3A_396] : memref<256x32xf32, #tpu.memory_space<vmem>> -> memref<1x32xf32, #tpu.memory_space<vmem>>
        %dma_start3A_398 = arith.constant 0 : i32
        %dma_start3A_399 = tpu.memref_slice %arg4[%squeeze3A_391, %dma_start3A_398] : memref<1000000x32xf32, #tpu.memory_space<hbm>> -> memref<1x32xf32, #tpu.memory_space<hbm>>
        tpu.enqueue_dma source(%dma_start3A_399 : memref<1x32xf32, #tpu.memory_space<hbm>>) target(%dma_start3A_397 : memref<1x32xf32, #tpu.memory_space<vmem>>) target_semaphore(%arg10 : memref<!tpu.dma_semaphore, #tpu.memory_space<semaphore_mem>>)
        %mul3A_400 = arith.constant 16 : i32
        %mul3A_401 = arith.muli %scan3A_25, %mul3A_400 : i32
        %add3A_402 = arith.constant 15 : i32
        %add3A_403 = arith.addi %mul3A_401, %add3A_402 : i32
        %slice3A_404 = vector.extract_strided_slice %get3A_33 {offsets = [15], sizes = [1], strides = [1]} : vector<16xi32> to vector<1xi32>
        %squeeze3A_405 = vector.extract %slice3A_404[0] : i32 from vector<1xi32>
        %dma_start3A_406 = arith.constant 0 : i32
        %dma_start3A_407 = tpu.memref_slice %arg7[%add3A_403, %dma_start3A_406] : memref<256x32xf32, #tpu.memory_space<vmem>> -> memref<1x32xf32, #tpu.memory_space<vmem>>
        %dma_start3A_408 = arith.constant 0 : i32
        %dma_start3A_409 = tpu.memref_slice %arg3[%squeeze3A_405, %dma_start3A_408] : memref<1000000x32xf32, #tpu.memory_space<hbm>> -> memref<1x32xf32, #tpu.memory_space<hbm>>
        %dma_start3A_410 = arith.constant 0 : i32
        %dma_start3A_411 = tpu.memref_slice %arg7[%add3A_403, %dma_start3A_410] : memref<256x32xf32, #tpu.memory_space<vmem>> -> memref<1x32xf32, #tpu.memory_space<vmem>>
        %dma_start3A_412 = arith.constant 0 : i32
        %dma_start3A_413 = tpu.memref_slice %arg3[%squeeze3A_405, %dma_start3A_412] : memref<1000000x32xf32, #tpu.memory_space<hbm>> -> memref<1x32xf32, #tpu.memory_space<hbm>>
        tpu.enqueue_dma source(%dma_start3A_413 : memref<1x32xf32, #tpu.memory_space<hbm>>) target(%dma_start3A_411 : memref<1x32xf32, #tpu.memory_space<vmem>>) target_semaphore(%arg10 : memref<!tpu.dma_semaphore, #tpu.memory_space<semaphore_mem>>)
        %slice3A_414 = vector.extract_strided_slice %get3A_42 {offsets = [15], sizes = [1], strides = [1]} : vector<16xi32> to vector<1xi32>
        %squeeze3A_415 = vector.extract %slice3A_414[0] : i32 from vector<1xi32>
        %dma_start3A_416 = arith.constant 0 : i32
        %dma_start3A_417 = tpu.memref_slice %arg8[%add3A_403, %dma_start3A_416] : memref<256x32xf32, #tpu.memory_space<vmem>> -> memref<1x32xf32, #tpu.memory_space<vmem>>
        %dma_start3A_418 = arith.constant 0 : i32
        %dma_start3A_419 = tpu.memref_slice %arg4[%squeeze3A_415, %dma_start3A_418] : memref<1000000x32xf32, #tpu.memory_space<hbm>> -> memref<1x32xf32, #tpu.memory_space<hbm>>
        %dma_start3A_420 = arith.constant 0 : i32
        %dma_start3A_421 = tpu.memref_slice %arg8[%add3A_403, %dma_start3A_420] : memref<256x32xf32, #tpu.memory_space<vmem>> -> memref<1x32xf32, #tpu.memory_space<vmem>>
        %dma_start3A_422 = arith.constant 0 : i32
        %dma_start3A_423 = tpu.memref_slice %arg4[%squeeze3A_415, %dma_start3A_422] : memref<1000000x32xf32, #tpu.memory_space<hbm>> -> memref<1x32xf32, #tpu.memory_space<hbm>>
        tpu.enqueue_dma source(%dma_start3A_423 : memref<1x32xf32, #tpu.memory_space<hbm>>) target(%dma_start3A_421 : memref<1x32xf32, #tpu.memory_space<vmem>>) target_semaphore(%arg10 : memref<!tpu.dma_semaphore, #tpu.memory_space<semaphore_mem>>)
      }
      %scan3A_12 = arith.constant 16 : i32
      %scan3A_13 = arith.constant 0 : i32
      %scan3A_14 = arith.constant 0 : i32
      %scan3A_15 = arith.constant 256 : i32
      %scan3A_16 = arith.addi %scan3A_14, %scan3A_15 : i32
      %scan3A_17 = arith.constant 1 : i32
      scf.for %scan3A_25 = %scan3A_14 to %scan3A_16 step %scan3A_17  : i32 {
        %dma_wait3A = arith.constant 0 : i32
        %dma_wait3A_26 = arith.constant 0 : i32
        %dma_wait3A_27 = tpu.memref_slice %arg7[%dma_wait3A, %dma_wait3A_26] : memref<256x32xf32, #tpu.memory_space<vmem>> -> memref<1x32xf32, #tpu.memory_space<vmem>>
        %dma_wait3A_28 = arith.constant 0 : i32
        %dma_wait3A_29 = arith.constant 0 : i32
        %dma_wait3A_30 = tpu.memref_slice %arg3[%dma_wait3A_28, %dma_wait3A_29] : memref<1000000x32xf32, #tpu.memory_space<hbm>> -> memref<1x32xf32, #tpu.memory_space<hbm>>
        %dma_wait3A_31 = arith.constant 0 : i32
        %dma_wait3A_32 = arith.constant 0 : i32
        %dma_wait3A_33 = tpu.memref_slice %arg7[%dma_wait3A_31, %dma_wait3A_32] : memref<256x32xf32, #tpu.memory_space<vmem>> -> memref<1x32xf32, #tpu.memory_space<vmem>>
        %dma_wait3A_34 = arith.constant 0 : i32
        %dma_wait3A_35 = arith.constant 0 : i32
        %dma_wait3A_36 = tpu.memref_slice %arg3[%dma_wait3A_34, %dma_wait3A_35] : memref<1000000x32xf32, #tpu.memory_space<hbm>> -> memref<1x32xf32, #tpu.memory_space<hbm>>
        tpu.wait_dma2 semaphore(%arg10 : memref<!tpu.dma_semaphore, #tpu.memory_space<semaphore_mem>>) src(%dma_wait3A_36 : memref<1x32xf32, #tpu.memory_space<hbm>>) dst(%dma_wait3A_33 : memref<1x32xf32, #tpu.memory_space<vmem>>)
        %dma_wait3A_37 = arith.constant 0 : i32
        %dma_wait3A_38 = arith.constant 0 : i32
        %dma_wait3A_39 = tpu.memref_slice %arg8[%dma_wait3A_37, %dma_wait3A_38] : memref<256x32xf32, #tpu.memory_space<vmem>> -> memref<1x32xf32, #tpu.memory_space<vmem>>
        %dma_wait3A_40 = arith.constant 0 : i32
        %dma_wait3A_41 = arith.constant 0 : i32
        %dma_wait3A_42 = tpu.memref_slice %arg3[%dma_wait3A_40, %dma_wait3A_41] : memref<1000000x32xf32, #tpu.memory_space<hbm>> -> memref<1x32xf32, #tpu.memory_space<hbm>>
        %dma_wait3A_43 = arith.constant 0 : i32
        %dma_wait3A_44 = arith.constant 0 : i32
        %dma_wait3A_45 = tpu.memref_slice %arg8[%dma_wait3A_43, %dma_wait3A_44] : memref<256x32xf32, #tpu.memory_space<vmem>> -> memref<1x32xf32, #tpu.memory_space<vmem>>
        %dma_wait3A_46 = arith.constant 0 : i32
        %dma_wait3A_47 = arith.constant 0 : i32
        %dma_wait3A_48 = tpu.memref_slice %arg3[%dma_wait3A_46, %dma_wait3A_47] : memref<1000000x32xf32, #tpu.memory_space<hbm>> -> memref<1x32xf32, #tpu.memory_space<hbm>>
        tpu.wait_dma2 semaphore(%arg10 : memref<!tpu.dma_semaphore, #tpu.memory_space<semaphore_mem>>) src(%dma_wait3A_48 : memref<1x32xf32, #tpu.memory_space<hbm>>) dst(%dma_wait3A_45 : memref<1x32xf32, #tpu.memory_space<vmem>>)
      }
      %scan3A_18 = arith.constant 256 : i32
      %scan3A_19 = arith.constant 0 : i32
      %scan3A_20 = arith.constant 0 : i32
      %scan3A_21 = arith.constant 16 : i32
      %scan3A_22 = arith.addi %scan3A_20, %scan3A_21 : i32
      %scan3A_23 = arith.constant 1 : i32
      scf.for %scan3A_25 = %scan3A_20 to %scan3A_22 step %scan3A_23  : i32 {
        %mul3A_26 = arith.constant 16 : i32
        %mul3A_27 = arith.muli %scan3A_25, %mul3A_26 : i32
        %iota3A = tpu.iota {dimensions = array<i32: 0>} : vector<16xi32>
        %add3A_28 = vector.broadcast %mul3A_27 : i32 to vector<16xi32>
        %add3A_29 = arith.addi %add3A_28, %iota3A : vector<16xi32>
        %broadcast_in_dim3A = arith.constant 0.000000e+00 : f32
        %broadcast_in_dim3A_30 = vector.broadcast %broadcast_in_dim3A : f32 to vector<16xf32>
        %broadcast_in_dim3A_31 = arith.constant 0 : i32
        %broadcast_in_dim3A_32 = vector.broadcast %broadcast_in_dim3A_31 : i32 to vector<16xi32>
        %gather3A = tpu.vector_load_idx %arg7[%add3A_29, %broadcast_in_dim3A_32] : memref<256x32xf32, #tpu.memory_space<vmem>>[vector<16xi32>, vector<16xi32>], vector<16xf32>,
        %gather3A_33 = tpu.vector_load_idx %arg8[%add3A_29, %broadcast_in_dim3A_32] : memref<256x32xf32, #tpu.memory_space<vmem>>[vector<16xi32>, vector<16xi32>], vector<16xf32>,
        %mul3A_34 = arith.mulf %gather3A, %gather3A_33 : vector<16xf32>
        %add3A_35 = arith.addf %broadcast_in_dim3A_30, %mul3A_34 : vector<16xf32>
        %broadcast_in_dim3A_36 = arith.constant 1 : i32
        %broadcast_in_dim3A_37 = vector.broadcast %broadcast_in_dim3A_36 : i32 to vector<16xi32>
        %gather3A_38 = tpu.vector_load_idx %arg7[%add3A_29, %broadcast_in_dim3A_37] : memref<256x32xf32, #tpu.memory_space<vmem>>[vector<16xi32>, vector<16xi32>], vector<16xf32>,
        %gather3A_39 = tpu.vector_load_idx %arg8[%add3A_29, %broadcast_in_dim3A_37] : memref<256x32xf32, #tpu.memory_space<vmem>>[vector<16xi32>, vector<16xi32>], vector<16xf32>,
        %mul3A_40 = arith.mulf %gather3A_38, %gather3A_39 : vector<16xf32>
        %add3A_41 = arith.addf %add3A_35, %mul3A_40 : vector<16xf32>
        %broadcast_in_dim3A_42 = arith.constant 2 : i32
        %broadcast_in_dim3A_43 = vector.broadcast %broadcast_in_dim3A_42 : i32 to vector<16xi32>
        %gather3A_44 = tpu.vector_load_idx %arg7[%add3A_29, %broadcast_in_dim3A_43] : memref<256x32xf32, #tpu.memory_space<vmem>>[vector<16xi32>, vector<16xi32>], vector<16xf32>,
        %gather3A_45 = tpu.vector_load_idx %arg8[%add3A_29, %broadcast_in_dim3A_43] : memref<256x32xf32, #tpu.memory_space<vmem>>[vector<16xi32>, vector<16xi32>], vector<16xf32>,
        %mul3A_46 = arith.mulf %gather3A_44, %gather3A_45 : vector<16xf32>
        %add3A_47 = arith.addf %add3A_41, %mul3A_46 : vector<16xf32>
        %broadcast_in_dim3A_48 = arith.constant 3 : i32
        %broadcast_in_dim3A_49 = vector.broadcast %broadcast_in_dim3A_48 : i32 to vector<16xi32>
        %gather3A_50 = tpu.vector_load_idx %arg7[%add3A_29, %broadcast_in_dim3A_49] : memref<256x32xf32, #tpu.memory_space<vmem>>[vector<16xi32>, vector<16xi32>], vector<16xf32>,
        %gather3A_51 = tpu.vector_load_idx %arg8[%add3A_29, %broadcast_in_dim3A_49] : memref<256x32xf32, #tpu.memory_space<vmem>>[vector<16xi32>, vector<16xi32>], vector<16xf32>,
        %mul3A_52 = arith.mulf %gather3A_50, %gather3A_51 : vector<16xf32>
        %add3A_53 = arith.addf %add3A_47, %mul3A_52 : vector<16xf32>
        %broadcast_in_dim3A_54 = arith.constant 4 : i32
        %broadcast_in_dim3A_55 = vector.broadcast %broadcast_in_dim3A_54 : i32 to vector<16xi32>
        %gather3A_56 = tpu.vector_load_idx %arg7[%add3A_29, %broadcast_in_dim3A_55] : memref<256x32xf32, #tpu.memory_space<vmem>>[vector<16xi32>, vector<16xi32>], vector<16xf32>,
        %gather3A_57 = tpu.vector_load_idx %arg8[%add3A_29, %broadcast_in_dim3A_55] : memref<256x32xf32, #tpu.memory_space<vmem>>[vector<16xi32>, vector<16xi32>], vector<16xf32>,
        %mul3A_58 = arith.mulf %gather3A_56, %gather3A_57 : vector<16xf32>
        %add3A_59 = arith.addf %add3A_53, %mul3A_58 : vector<16xf32>
        %broadcast_in_dim3A_60 = arith.constant 5 : i32
        %broadcast_in_dim3A_61 = vector.broadcast %broadcast_in_dim3A_60 : i32 to vector<16xi32>
        %gather3A_62 = tpu.vector_load_idx %arg7[%add3A_29, %broadcast_in_dim3A_61] : memref<256x32xf32, #tpu.memory_space<vmem>>[vector<16xi32>, vector<16xi32>], vector<16xf32>,
        %gather3A_63 = tpu.vector_load_idx %arg8[%add3A_29, %broadcast_in_dim3A_61] : memref<256x32xf32, #tpu.memory_space<vmem>>[vector<16xi32>, vector<16xi32>], vector<16xf32>,
        %mul3A_64 = arith.mulf %gather3A_62, %gather3A_63 : vector<16xf32>
        %add3A_65 = arith.addf %add3A_59, %mul3A_64 : vector<16xf32>
        %broadcast_in_dim3A_66 = arith.constant 6 : i32
        %broadcast_in_dim3A_67 = vector.broadcast %broadcast_in_dim3A_66 : i32 to vector<16xi32>
        %gather3A_68 = tpu.vector_load_idx %arg7[%add3A_29, %broadcast_in_dim3A_67] : memref<256x32xf32, #tpu.memory_space<vmem>>[vector<16xi32>, vector<16xi32>], vector<16xf32>,
        %gather3A_69 = tpu.vector_load_idx %arg8[%add3A_29, %broadcast_in_dim3A_67] : memref<256x32xf32, #tpu.memory_space<vmem>>[vector<16xi32>, vector<16xi32>], vector<16xf32>,
        %mul3A_70 = arith.mulf %gather3A_68, %gather3A_69 : vector<16xf32>
        %add3A_71 = arith.addf %add3A_65, %mul3A_70 : vector<16xf32>
        %broadcast_in_dim3A_72 = arith.constant 7 : i32
        %broadcast_in_dim3A_73 = vector.broadcast %broadcast_in_dim3A_72 : i32 to vector<16xi32>
        %gather3A_74 = tpu.vector_load_idx %arg7[%add3A_29, %broadcast_in_dim3A_73] : memref<256x32xf32, #tpu.memory_space<vmem>>[vector<16xi32>, vector<16xi32>], vector<16xf32>,
        %gather3A_75 = tpu.vector_load_idx %arg8[%add3A_29, %broadcast_in_dim3A_73] : memref<256x32xf32, #tpu.memory_space<vmem>>[vector<16xi32>, vector<16xi32>], vector<16xf32>,
        %mul3A_76 = arith.mulf %gather3A_74, %gather3A_75 : vector<16xf32>
        %add3A_77 = arith.addf %add3A_71, %mul3A_76 : vector<16xf32>
        %broadcast_in_dim3A_78 = arith.constant 8 : i32
        %broadcast_in_dim3A_79 = vector.broadcast %broadcast_in_dim3A_78 : i32 to vector<16xi32>
        %gather3A_80 = tpu.vector_load_idx %arg7[%add3A_29, %broadcast_in_dim3A_79] : memref<256x32xf32, #tpu.memory_space<vmem>>[vector<16xi32>, vector<16xi32>], vector<16xf32>,
        %gather3A_81 = tpu.vector_load_idx %arg8[%add3A_29, %broadcast_in_dim3A_79] : memref<256x32xf32, #tpu.memory_space<vmem>>[vector<16xi32>, vector<16xi32>], vector<16xf32>,
        %mul3A_82 = arith.mulf %gather3A_80, %gather3A_81 : vector<16xf32>
        %add3A_83 = arith.addf %add3A_77, %mul3A_82 : vector<16xf32>
        %broadcast_in_dim3A_84 = arith.constant 9 : i32
        %broadcast_in_dim3A_85 = vector.broadcast %broadcast_in_dim3A_84 : i32 to vector<16xi32>
        %gather3A_86 = tpu.vector_load_idx %arg7[%add3A_29, %broadcast_in_dim3A_85] : memref<256x32xf32, #tpu.memory_space<vmem>>[vector<16xi32>, vector<16xi32>], vector<16xf32>,
        %gather3A_87 = tpu.vector_load_idx %arg8[%add3A_29, %broadcast_in_dim3A_85] : memref<256x32xf32, #tpu.memory_space<vmem>>[vector<16xi32>, vector<16xi32>], vector<16xf32>,
        %mul3A_88 = arith.mulf %gather3A_86, %gather3A_87 : vector<16xf32>
        %add3A_89 = arith.addf %add3A_83, %mul3A_88 : vector<16xf32>
        %broadcast_in_dim3A_90 = arith.constant 10 : i32
        %broadcast_in_dim3A_91 = vector.broadcast %broadcast_in_dim3A_90 : i32 to vector<16xi32>
        %gather3A_92 = tpu.vector_load_idx %arg7[%add3A_29, %broadcast_in_dim3A_91] : memref<256x32xf32, #tpu.memory_space<vmem>>[vector<16xi32>, vector<16xi32>], vector<16xf32>,
        %gather3A_93 = tpu.vector_load_idx %arg8[%add3A_29, %broadcast_in_dim3A_91] : memref<256x32xf32, #tpu.memory_space<vmem>>[vector<16xi32>, vector<16xi32>], vector<16xf32>,
        %mul3A_94 = arith.mulf %gather3A_92, %gather3A_93 : vector<16xf32>
        %add3A_95 = arith.addf %add3A_89, %mul3A_94 : vector<16xf32>
        %broadcast_in_dim3A_96 = arith.constant 11 : i32
        %broadcast_in_dim3A_97 = vector.broadcast %broadcast_in_dim3A_96 : i32 to vector<16xi32>
        %gather3A_98 = tpu.vector_load_idx %arg7[%add3A_29, %broadcast_in_dim3A_97] : memref<256x32xf32, #tpu.memory_space<vmem>>[vector<16xi32>, vector<16xi32>], vector<16xf32>,
        %gather3A_99 = tpu.vector_load_idx %arg8[%add3A_29, %broadcast_in_dim3A_97] : memref<256x32xf32, #tpu.memory_space<vmem>>[vector<16xi32>, vector<16xi32>], vector<16xf32>,
        %mul3A_100 = arith.mulf %gather3A_98, %gather3A_99 : vector<16xf32>
        %add3A_101 = arith.addf %add3A_95, %mul3A_100 : vector<16xf32>
        %broadcast_in_dim3A_102 = arith.constant 12 : i32
        %broadcast_in_dim3A_103 = vector.broadcast %broadcast_in_dim3A_102 : i32 to vector<16xi32>
        %gather3A_104 = tpu.vector_load_idx %arg7[%add3A_29, %broadcast_in_dim3A_103] : memref<256x32xf32, #tpu.memory_space<vmem>>[vector<16xi32>, vector<16xi32>], vector<16xf32>,
        %gather3A_105 = tpu.vector_load_idx %arg8[%add3A_29, %broadcast_in_dim3A_103] : memref<256x32xf32, #tpu.memory_space<vmem>>[vector<16xi32>, vector<16xi32>], vector<16xf32>,
        %mul3A_106 = arith.mulf %gather3A_104, %gather3A_105 : vector<16xf32>
        %add3A_107 = arith.addf %add3A_101, %mul3A_106 : vector<16xf32>
        %broadcast_in_dim3A_108 = arith.constant 13 : i32
        %broadcast_in_dim3A_109 = vector.broadcast %broadcast_in_dim3A_108 : i32 to vector<16xi32>
        %gather3A_110 = tpu.vector_load_idx %arg7[%add3A_29, %broadcast_in_dim3A_109] : memref<256x32xf32, #tpu.memory_space<vmem>>[vector<16xi32>, vector<16xi32>], vector<16xf32>,
        %gather3A_111 = tpu.vector_load_idx %arg8[%add3A_29, %broadcast_in_dim3A_109] : memref<256x32xf32, #tpu.memory_space<vmem>>[vector<16xi32>, vector<16xi32>], vector<16xf32>,
        %mul3A_112 = arith.mulf %gather3A_110, %gather3A_111 : vector<16xf32>
        %add3A_113 = arith.addf %add3A_107, %mul3A_112 : vector<16xf32>
        %broadcast_in_dim3A_114 = arith.constant 14 : i32
        %broadcast_in_dim3A_115 = vector.broadcast %broadcast_in_dim3A_114 : i32 to vector<16xi32>
        %gather3A_116 = tpu.vector_load_idx %arg7[%add3A_29, %broadcast_in_dim3A_115] : memref<256x32xf32, #tpu.memory_space<vmem>>[vector<16xi32>, vector<16xi32>], vector<16xf32>,
        %gather3A_117 = tpu.vector_load_idx %arg8[%add3A_29, %broadcast_in_dim3A_115] : memref<256x32xf32, #tpu.memory_space<vmem>>[vector<16xi32>, vector<16xi32>], vector<16xf32>,
        %mul3A_118 = arith.mulf %gather3A_116, %gather3A_117 : vector<16xf32>
        %add3A_119 = arith.addf %add3A_113, %mul3A_118 : vector<16xf32>
        %broadcast_in_dim3A_120 = arith.constant 15 : i32
        %broadcast_in_dim3A_121 = vector.broadcast %broadcast_in_dim3A_120 : i32 to vector<16xi32>
        %gather3A_122 = tpu.vector_load_idx %arg7[%add3A_29, %broadcast_in_dim3A_121] : memref<256x32xf32, #tpu.memory_space<vmem>>[vector<16xi32>, vector<16xi32>], vector<16xf32>,
        %gather3A_123 = tpu.vector_load_idx %arg8[%add3A_29, %broadcast_in_dim3A_121] : memref<256x32xf32, #tpu.memory_space<vmem>>[vector<16xi32>, vector<16xi32>], vector<16xf32>,
        %mul3A_124 = arith.mulf %gather3A_122, %gather3A_123 : vector<16xf32>
        %add3A_125 = arith.addf %add3A_119, %mul3A_124 : vector<16xf32>
        %broadcast_in_dim3A_126 = arith.constant 16 : i32
        %broadcast_in_dim3A_127 = vector.broadcast %broadcast_in_dim3A_126 : i32 to vector<16xi32>
        %gather3A_128 = tpu.vector_load_idx %arg7[%add3A_29, %broadcast_in_dim3A_127] : memref<256x32xf32, #tpu.memory_space<vmem>>[vector<16xi32>, vector<16xi32>], vector<16xf32>,
        %gather3A_129 = tpu.vector_load_idx %arg8[%add3A_29, %broadcast_in_dim3A_127] : memref<256x32xf32, #tpu.memory_space<vmem>>[vector<16xi32>, vector<16xi32>], vector<16xf32>,
        %mul3A_130 = arith.mulf %gather3A_128, %gather3A_129 : vector<16xf32>
        %add3A_131 = arith.addf %add3A_125, %mul3A_130 : vector<16xf32>
        %broadcast_in_dim3A_132 = arith.constant 17 : i32
        %broadcast_in_dim3A_133 = vector.broadcast %broadcast_in_dim3A_132 : i32 to vector<16xi32>
        %gather3A_134 = tpu.vector_load_idx %arg7[%add3A_29, %broadcast_in_dim3A_133] : memref<256x32xf32, #tpu.memory_space<vmem>>[vector<16xi32>, vector<16xi32>], vector<16xf32>,
        %gather3A_135 = tpu.vector_load_idx %arg8[%add3A_29, %broadcast_in_dim3A_133] : memref<256x32xf32, #tpu.memory_space<vmem>>[vector<16xi32>, vector<16xi32>], vector<16xf32>,
        %mul3A_136 = arith.mulf %gather3A_134, %gather3A_135 : vector<16xf32>
        %add3A_137 = arith.addf %add3A_131, %mul3A_136 : vector<16xf32>
        %broadcast_in_dim3A_138 = arith.constant 18 : i32
        %broadcast_in_dim3A_139 = vector.broadcast %broadcast_in_dim3A_138 : i32 to vector<16xi32>
        %gather3A_140 = tpu.vector_load_idx %arg7[%add3A_29, %broadcast_in_dim3A_139] : memref<256x32xf32, #tpu.memory_space<vmem>>[vector<16xi32>, vector<16xi32>], vector<16xf32>,
        %gather3A_141 = tpu.vector_load_idx %arg8[%add3A_29, %broadcast_in_dim3A_139] : memref<256x32xf32, #tpu.memory_space<vmem>>[vector<16xi32>, vector<16xi32>], vector<16xf32>,
        %mul3A_142 = arith.mulf %gather3A_140, %gather3A_141 : vector<16xf32>
        %add3A_143 = arith.addf %add3A_137, %mul3A_142 : vector<16xf32>
        %broadcast_in_dim3A_144 = arith.constant 19 : i32
        %broadcast_in_dim3A_145 = vector.broadcast %broadcast_in_dim3A_144 : i32 to vector<16xi32>
        %gather3A_146 = tpu.vector_load_idx %arg7[%add3A_29, %broadcast_in_dim3A_145] : memref<256x32xf32, #tpu.memory_space<vmem>>[vector<16xi32>, vector<16xi32>], vector<16xf32>,
        %gather3A_147 = tpu.vector_load_idx %arg8[%add3A_29, %broadcast_in_dim3A_145] : memref<256x32xf32, #tpu.memory_space<vmem>>[vector<16xi32>, vector<16xi32>], vector<16xf32>,
        %mul3A_148 = arith.mulf %gather3A_146, %gather3A_147 : vector<16xf32>
        %add3A_149 = arith.addf %add3A_143, %mul3A_148 : vector<16xf32>
        %broadcast_in_dim3A_150 = arith.constant 20 : i32
        %broadcast_in_dim3A_151 = vector.broadcast %broadcast_in_dim3A_150 : i32 to vector<16xi32>
        %gather3A_152 = tpu.vector_load_idx %arg7[%add3A_29, %broadcast_in_dim3A_151] : memref<256x32xf32, #tpu.memory_space<vmem>>[vector<16xi32>, vector<16xi32>], vector<16xf32>,
        %gather3A_153 = tpu.vector_load_idx %arg8[%add3A_29, %broadcast_in_dim3A_151] : memref<256x32xf32, #tpu.memory_space<vmem>>[vector<16xi32>, vector<16xi32>], vector<16xf32>,
        %mul3A_154 = arith.mulf %gather3A_152, %gather3A_153 : vector<16xf32>
        %add3A_155 = arith.addf %add3A_149, %mul3A_154 : vector<16xf32>
        %broadcast_in_dim3A_156 = arith.constant 21 : i32
        %broadcast_in_dim3A_157 = vector.broadcast %broadcast_in_dim3A_156 : i32 to vector<16xi32>
        %gather3A_158 = tpu.vector_load_idx %arg7[%add3A_29, %broadcast_in_dim3A_157] : memref<256x32xf32, #tpu.memory_space<vmem>>[vector<16xi32>, vector<16xi32>], vector<16xf32>,
        %gather3A_159 = tpu.vector_load_idx %arg8[%add3A_29, %broadcast_in_dim3A_157] : memref<256x32xf32, #tpu.memory_space<vmem>>[vector<16xi32>, vector<16xi32>], vector<16xf32>,
        %mul3A_160 = arith.mulf %gather3A_158, %gather3A_159 : vector<16xf32>
        %add3A_161 = arith.addf %add3A_155, %mul3A_160 : vector<16xf32>
        %broadcast_in_dim3A_162 = arith.constant 22 : i32
        %broadcast_in_dim3A_163 = vector.broadcast %broadcast_in_dim3A_162 : i32 to vector<16xi32>
        %gather3A_164 = tpu.vector_load_idx %arg7[%add3A_29, %broadcast_in_dim3A_163] : memref<256x32xf32, #tpu.memory_space<vmem>>[vector<16xi32>, vector<16xi32>], vector<16xf32>,
        %gather3A_165 = tpu.vector_load_idx %arg8[%add3A_29, %broadcast_in_dim3A_163] : memref<256x32xf32, #tpu.memory_space<vmem>>[vector<16xi32>, vector<16xi32>], vector<16xf32>,
        %mul3A_166 = arith.mulf %gather3A_164, %gather3A_165 : vector<16xf32>
        %add3A_167 = arith.addf %add3A_161, %mul3A_166 : vector<16xf32>
        %broadcast_in_dim3A_168 = arith.constant 23 : i32
        %broadcast_in_dim3A_169 = vector.broadcast %broadcast_in_dim3A_168 : i32 to vector<16xi32>
        %gather3A_170 = tpu.vector_load_idx %arg7[%add3A_29, %broadcast_in_dim3A_169] : memref<256x32xf32, #tpu.memory_space<vmem>>[vector<16xi32>, vector<16xi32>], vector<16xf32>,
        %gather3A_171 = tpu.vector_load_idx %arg8[%add3A_29, %broadcast_in_dim3A_169] : memref<256x32xf32, #tpu.memory_space<vmem>>[vector<16xi32>, vector<16xi32>], vector<16xf32>,
        %mul3A_172 = arith.mulf %gather3A_170, %gather3A_171 : vector<16xf32>
        %add3A_173 = arith.addf %add3A_167, %mul3A_172 : vector<16xf32>
        %broadcast_in_dim3A_174 = arith.constant 24 : i32
        %broadcast_in_dim3A_175 = vector.broadcast %broadcast_in_dim3A_174 : i32 to vector<16xi32>
        %gather3A_176 = tpu.vector_load_idx %arg7[%add3A_29, %broadcast_in_dim3A_175] : memref<256x32xf32, #tpu.memory_space<vmem>>[vector<16xi32>, vector<16xi32>], vector<16xf32>,
        %gather3A_177 = tpu.vector_load_idx %arg8[%add3A_29, %broadcast_in_dim3A_175] : memref<256x32xf32, #tpu.memory_space<vmem>>[vector<16xi32>, vector<16xi32>], vector<16xf32>,
        %mul3A_178 = arith.mulf %gather3A_176, %gather3A_177 : vector<16xf32>
        %add3A_179 = arith.addf %add3A_173, %mul3A_178 : vector<16xf32>
        %broadcast_in_dim3A_180 = arith.constant 25 : i32
        %broadcast_in_dim3A_181 = vector.broadcast %broadcast_in_dim3A_180 : i32 to vector<16xi32>
        %gather3A_182 = tpu.vector_load_idx %arg7[%add3A_29, %broadcast_in_dim3A_181] : memref<256x32xf32, #tpu.memory_space<vmem>>[vector<16xi32>, vector<16xi32>], vector<16xf32>,
        %gather3A_183 = tpu.vector_load_idx %arg8[%add3A_29, %broadcast_in_dim3A_181] : memref<256x32xf32, #tpu.memory_space<vmem>>[vector<16xi32>, vector<16xi32>], vector<16xf32>,
        %mul3A_184 = arith.mulf %gather3A_182, %gather3A_183 : vector<16xf32>
        %add3A_185 = arith.addf %add3A_179, %mul3A_184 : vector<16xf32>
        %broadcast_in_dim3A_186 = arith.constant 26 : i32
        %broadcast_in_dim3A_187 = vector.broadcast %broadcast_in_dim3A_186 : i32 to vector<16xi32>
        %gather3A_188 = tpu.vector_load_idx %arg7[%add3A_29, %broadcast_in_dim3A_187] : memref<256x32xf32, #tpu.memory_space<vmem>>[vector<16xi32>, vector<16xi32>], vector<16xf32>,
        %gather3A_189 = tpu.vector_load_idx %arg8[%add3A_29, %broadcast_in_dim3A_187] : memref<256x32xf32, #tpu.memory_space<vmem>>[vector<16xi32>, vector<16xi32>], vector<16xf32>,
        %mul3A_190 = arith.mulf %gather3A_188, %gather3A_189 : vector<16xf32>
        %add3A_191 = arith.addf %add3A_185, %mul3A_190 : vector<16xf32>
        %broadcast_in_dim3A_192 = arith.constant 27 : i32
        %broadcast_in_dim3A_193 = vector.broadcast %broadcast_in_dim3A_192 : i32 to vector<16xi32>
        %gather3A_194 = tpu.vector_load_idx %arg7[%add3A_29, %broadcast_in_dim3A_193] : memref<256x32xf32, #tpu.memory_space<vmem>>[vector<16xi32>, vector<16xi32>], vector<16xf32>,
        %gather3A_195 = tpu.vector_load_idx %arg8[%add3A_29, %broadcast_in_dim3A_193] : memref<256x32xf32, #tpu.memory_space<vmem>>[vector<16xi32>, vector<16xi32>], vector<16xf32>,
        %mul3A_196 = arith.mulf %gather3A_194, %gather3A_195 : vector<16xf32>
        %add3A_197 = arith.addf %add3A_191, %mul3A_196 : vector<16xf32>
        %broadcast_in_dim3A_198 = arith.constant 28 : i32
        %broadcast_in_dim3A_199 = vector.broadcast %broadcast_in_dim3A_198 : i32 to vector<16xi32>
        %gather3A_200 = tpu.vector_load_idx %arg7[%add3A_29, %broadcast_in_dim3A_199] : memref<256x32xf32, #tpu.memory_space<vmem>>[vector<16xi32>, vector<16xi32>], vector<16xf32>,
        %gather3A_201 = tpu.vector_load_idx %arg8[%add3A_29, %broadcast_in_dim3A_199] : memref<256x32xf32, #tpu.memory_space<vmem>>[vector<16xi32>, vector<16xi32>], vector<16xf32>,
        %mul3A_202 = arith.mulf %gather3A_200, %gather3A_201 : vector<16xf32>
        %add3A_203 = arith.addf %add3A_197, %mul3A_202 : vector<16xf32>
        %broadcast_in_dim3A_204 = arith.constant 29 : i32
        %broadcast_in_dim3A_205 = vector.broadcast %broadcast_in_dim3A_204 : i32 to vector<16xi32>
        %gather3A_206 = tpu.vector_load_idx %arg7[%add3A_29, %broadcast_in_dim3A_205] : memref<256x32xf32, #tpu.memory_space<vmem>>[vector<16xi32>, vector<16xi32>], vector<16xf32>,
        %gather3A_207 = tpu.vector_load_idx %arg8[%add3A_29, %broadcast_in_dim3A_205] : memref<256x32xf32, #tpu.memory_space<vmem>>[vector<16xi32>, vector<16xi32>], vector<16xf32>,
        %mul3A_208 = arith.mulf %gather3A_206, %gather3A_207 : vector<16xf32>
        %add3A_209 = arith.addf %add3A_203, %mul3A_208 : vector<16xf32>
        %broadcast_in_dim3A_210 = arith.constant 30 : i32
        %broadcast_in_dim3A_211 = vector.broadcast %broadcast_in_dim3A_210 : i32 to vector<16xi32>
        %gather3A_212 = tpu.vector_load_idx %arg7[%add3A_29, %broadcast_in_dim3A_211] : memref<256x32xf32, #tpu.memory_space<vmem>>[vector<16xi32>, vector<16xi32>], vector<16xf32>,
        %gather3A_213 = tpu.vector_load_idx %arg8[%add3A_29, %broadcast_in_dim3A_211] : memref<256x32xf32, #tpu.memory_space<vmem>>[vector<16xi32>, vector<16xi32>], vector<16xf32>,
        %mul3A_214 = arith.mulf %gather3A_212, %gather3A_213 : vector<16xf32>
        %add3A_215 = arith.addf %add3A_209, %mul3A_214 : vector<16xf32>
        %broadcast_in_dim3A_216 = arith.constant 31 : i32
        %broadcast_in_dim3A_217 = vector.broadcast %broadcast_in_dim3A_216 : i32 to vector<16xi32>
        %gather3A_218 = tpu.vector_load_idx %arg7[%add3A_29, %broadcast_in_dim3A_217] : memref<256x32xf32, #tpu.memory_space<vmem>>[vector<16xi32>, vector<16xi32>], vector<16xf32>,
        %gather3A_219 = tpu.vector_load_idx %arg8[%add3A_29, %broadcast_in_dim3A_217] : memref<256x32xf32, #tpu.memory_space<vmem>>[vector<16xi32>, vector<16xi32>], vector<16xf32>,
        %mul3A_220 = arith.mulf %gather3A_218, %gather3A_219 : vector<16xf32>
        %add3A_221 = arith.addf %add3A_215, %mul3A_220 : vector<16xf32>
        %neg3A = arith.constant 0.000000e+00 : f32
        %neg3A_222 = vector.broadcast %neg3A : f32 to vector<16xf32>
        %neg3A_223 = arith.subf %neg3A_222, %add3A_221 : vector<16xf32>
        %exp3A = math.exp %neg3A_223 : vector<16xf32>
        %add3A_224 = arith.constant 1.000000e+00 : f32
        %add3A_225 = vector.broadcast %add3A_224 : f32 to vector<16xf32>
        %add3A_226 = arith.addf %add3A_225, %exp3A : vector<16xf32>
        %div3A = arith.constant 1.000000e+00 : f32
        %div3A_227 = vector.broadcast %div3A : f32 to vector<16xf32>
        %div3A_228 = arith.divf %div3A_227, %add3A_226 : vector<16xf32>
        %mul3A_229 = arith.constant 256 : i32
        %mul3A_230 = arith.muli %scan3A_6, %mul3A_229 : i32
        %mul3A_231 = arith.constant 16 : i32
        %mul3A_232 = arith.muli %scan3A_25, %mul3A_231 : i32
        %add3A_233 = arith.addi %mul3A_230, %mul3A_232 : i32
        %swap3A = arith.index_cast %add3A_233 : i32 to index
        %swap3A_234 = tpu.vector_load %arg9[%swap3A] {strides = array<i32>} : memref<512xf32, #tpu.memory_space<vmem>>, vector<16xf32>,
        tpu.vector_store %arg9[%swap3A], %div3A_228 {strides = array<i32>} : memref<512xf32, #tpu.memory_space<vmem>>, vector<16xf32>,
      }
      %scan3A_24 = arith.constant 16 : i32
    }
    %scan3A_5 = arith.constant 2 : i32
    "tpu.region"() ({
      %run_scoped3A = tpu.sem_alloc : memref<!tpu.dma_semaphore, #tpu.memory_space<semaphore_mem>>
      %dma_start3A = arith.constant 0 : i32
      %dma_start3A_6 = tpu.memref_slice %arg5[%add3A, %dma_start3A] : memref<32x512xf32, #tpu.memory_space<hbm>> -> memref<1x512xf32, #tpu.memory_space<hbm>>
      %dma_start3A_7 = tpu.memref_squeeze %dma_start3A_6 : memref<1x512xf32, #tpu.memory_space<hbm>> -> memref<512xf32, #tpu.memory_space<hbm>>
      %dma_start3A_8 = arith.constant 0 : i32
      %dma_start3A_9 = tpu.memref_slice %arg5[%add3A, %dma_start3A_8] : memref<32x512xf32, #tpu.memory_space<hbm>> -> memref<1x512xf32, #tpu.memory_space<hbm>>
      %dma_start3A_10 = tpu.memref_squeeze %dma_start3A_9 : memref<1x512xf32, #tpu.memory_space<hbm>> -> memref<512xf32, #tpu.memory_space<hbm>>
      tpu.enqueue_dma source(%arg9 : memref<512xf32, #tpu.memory_space<vmem>>) target(%dma_start3A_10 : memref<512xf32, #tpu.memory_space<hbm>>) target_semaphore(%run_scoped3A : memref<!tpu.dma_semaphore, #tpu.memory_space<semaphore_mem>>)
      %dma_wait3A = arith.constant 0 : i32
      %dma_wait3A_11 = tpu.memref_slice %arg5[%add3A, %dma_wait3A] : memref<32x512xf32, #tpu.memory_space<hbm>> -> memref<1x512xf32, #tpu.memory_space<hbm>>
      %dma_wait3A_12 = tpu.memref_squeeze %dma_wait3A_11 : memref<1x512xf32, #tpu.memory_space<hbm>> -> memref<512xf32, #tpu.memory_space<hbm>>
      %dma_wait3A_13 = arith.constant 0 : i32
      %dma_wait3A_14 = tpu.memref_slice %arg5[%add3A, %dma_wait3A_13] : memref<32x512xf32, #tpu.memory_space<hbm>> -> memref<1x512xf32, #tpu.memory_space<hbm>>
      %dma_wait3A_15 = tpu.memref_squeeze %dma_wait3A_14 : memref<1x512xf32, #tpu.memory_space<hbm>> -> memref<512xf32, #tpu.memory_space<hbm>>
      tpu.wait_dma2 semaphore(%run_scoped3A : memref<!tpu.dma_semaphore, #tpu.memory_space<semaphore_mem>>) src(%arg9 : memref<512xf32, #tpu.memory_space<vmem>>) dst(%dma_wait3A_15 : memref<512xf32, #tpu.memory_space<hbm>>)
      tpu.yield
    }) : () -> ()
    return
  }
}

</mosaic_0001>

<sc_bundles>
// kernel: _mf.3.cloned.1.call-start
scs
__scs_entry_jumppad:
0x0: {  	(pc) =	sbr.rel $0x88, $3  }
0x1: {  	(tag) =	ssettag $0x0;
	lr =	simm.s32 $0x1  }
0x2: {  	[smem:$0x3F9E] =	sst lr;
	_ =	strace $0xD0000000  }
0x3: {  	_ = 	snop  }
0x4: {  	_ = 	snop  }
0x5: {  	_ = 	snop  }
0x6: {  	_ = 	snop  }
0x7: {  	_ = 	snop  }
__scs_overlays_trampoline_lowered:
0x8: {  	[smem:$0x3FAD] =	sst s0  }
0x9: {  	[smem:$0x3FAE] =	sst s1  }
0xa: {  	[smem:$0x3FAF] =	sst s2  }
0xb: {  	[smem:$0x3FB0] =	sst s3  }
0xc: {  	[smem:$0x3FB1] =	sst s4  }
0xd: {  	[smem:$0x3FB2] =	sst s5  }
0xe: {  	[smem:$0x3FB3] =	sst s6  }
0xf: {  	[smem:$0x3FB4] =	sst s7  }
0x10: {  	[smem:$0x3FB5] =	sst s8  }
0x11: {  	[smem:$0x3FB6] =	sst s9;
	s0 =	simm.s32 @!p0 $0x0  }
0x12: {  	s1 =	sld [smem:$0x3F9C];
	s0 =	simm.s32 @p0 $0x1  }
0x13: {  	[smem:$0x3FB7] =	sst s0;
	s0 =	simm.s32 @!p1 $0x0  }
0x14: {  	s2 =	sld [smem:$0x3F9B];
	s0 =	simm.s32 @p1 $0x1  }
0x15: {  	[smem:$0x3FB8] =	sst s0;
	s0 =	simm.s32 @!p2 $0x0  }
0x16: {  	s3 =	sld [smem:$0x3FDB];
	s0 =	simm.s32 @p2 $0x1  }
0x17: {  	s4 =	simm.s32 $0x1BF5;
	[smem:$0x3FBA] =	sst s0  }
0x18: {  	s0 =	sld [smem:$0x3F9D];
	_ =	swait.ge [sflag:s4], $0x0  }
0x19: {  	s7 =	sld [smem:$0x3F9E]  }
0x1a: {  	s8 =	sadd.s32 $0xFFFFE003, lr  }
0x1b: {  	s9 =	sadd.s32 $0xFFFFFEF7, lr;
	s5 =	simm.s32 $0xFFFFFFFF;
	p2 =	slt.u32 s8, $0xFFFFF086  }
0x1c: {  	p1 =	slt.u32 s9, $0xF7A;
	s5 =	simm.s32 @!p2 $0x0  }
0x1d: {  	s5 =	simm.s32 @p1 $0x1;
	p0 =	seq.s32 s7, s2  }
0x1e: {  	s7 =	smul.u32 @!p0 $0xF7A, s2;
	p2 =	seq.s32 @!p0 s5, $0x0  }
0x1f: {  	s9 =	smul.u32 $0xF7A, s1;
	s8 =	simm.s32 @!p0 $0x1BF5;
	p2 =	por !p2, p0  }
0x20: {  	[sflag:s8] =	ssyncset.s32 @!p0 $0xFFFFF086;
	s6 =	sadd.s32 @!p0 s3, s7;
	s7 =	simm.s32 @!p0 $0x108  }
0x21: {  	s3 =	sadd.s32 s3, s9;
	s6 =	sadd.s32 @!p0 $0x88, s6;
	s7 =	simm.s32 @p2 $0x1082  }
0x22: {  	[simem:s7], [sflag:s8] =	dma.local @!p0 [hbm:s6], $0xF7A  }
0x23: {  	s9 =	sor.u32 $0xD0000000, s2;
	s6 =	simm.s32 $0x108;
	_ =	swait.ge @!p0 [sflag:s8], $0x0  }
0x24: {  	s3 =	sadd.s32 $0x88, s3;
	s6 =	simm.s32 @!p1 $0x1082;
	[sflag:s4] =	ssyncset.s32 $0xFFFFF086  }
0x25: {  	[simem:s6], [sflag:s4] =	dma.local [hbm:s3], $0xF7A  }
0x26: {  	[smem:$0x3F9E] =	sst s1;
	(tag) =	ssettag s2;
	_ =	strace s9  }
0x27: {  	s1 =	sld [smem:$0x3FAE]  }
0x28: {  	s2 =	sld [smem:$0x3FAF]  }
0x29: {  	s4 =	sld [smem:$0x3FB1]  }
0x2a: {  	p0 =	seq.s32 s5, $0x0;
	s5 =	sld [smem:$0x3FB2]  }
0x2b: {  	s6 =	sld [smem:$0x3FB3]  }
0x2c: {  	s7 =	sld [smem:$0x3FB4]  }
0x2d: {  	s3 =	simm.s32 $0x108;
	s8 =	sld [smem:$0x3FB5]  }
0x2e: {  	s3 =	simm.s32 @!p0 $0x1082;
	s9 =	sld [smem:$0x3FB6]  }
0x2f: {  	lr =	sadd.s32 s0, s3;
	s0 =	sld [smem:$0x3FAD]  }
0x30: {  	s3 =	sld [smem:$0x3FB0]  }
0x31: {  	[smem:$0x3FB9] =	sst s10  }
0x32: {  	s10 =	sld [smem:$0x3FB7];
	_ =	sdelay $0x3  }
0x33: {  	p0 =	seq.s32 s10, $0x1;
	s10 =	sld [smem:$0x3FB9];
	_ =	sdelay $0x3  }
0x34: {  	[smem:$0x3FB9] =	sst s10  }
0x35: {  	s10 =	sld [smem:$0x3FB8];
	_ =	sdelay $0x3  }
0x36: {  	p1 =	seq.s32 s10, $0x1;
	s10 =	sld [smem:$0x3FB9];
	_ =	sdelay $0x3  }
0x37: {  	[smem:$0x3FB9] =	sst s10  }
0x38: {  	s10 =	sld [smem:$0x3FBA]  }
0x39: {  	_ = 	snop;
	(pc) =	sbr.ind lr, $3  }
0x3a: {  	_ = 	snop  }
0x3b: {  	_ = 	snop  }
0x3c: {  	p2 =	seq.s32 s10, $0x1;
	s10 =	sld [smem:$0x3FB9]  }
0x3d: {  	_ =	shalt  }
0x3e: {  	_ =	shalt  }
0x3f: {  	_ =	shalt  }
0x40: {  	_ =	shalt  }
0x41: {  	_ =	shalt  }
0x42: {  	_ =	shalt  }
0x43: {  	_ =	shalt  }
0x44: {  	_ =	shalt  }
0x45: {  	_ =	shalt  }
0x46: {  	_ =	shalt  }
0x47: {  	_ =	shalt  }
0x48: {  	_ =	shalt  }
0x49: {  	_ =	shalt  }
0x4a: {  	_ =	shalt  }
0x4b: {  	_ =	shalt  }
0x4c: {  	_ =	shalt  }
0x4d: {  	_ =	shalt  }
0x4e: {  	_ =	shalt  }
0x4f: {  	_ =	shalt  }
0x50: {  	_ =	shalt  }
0x51: {  	_ =	shalt  }
0x52: {  	_ =	shalt  }
0x53: {  	_ =	shalt  }
0x54: {  	_ =	shalt  }
0x55: {  	_ =	shalt  }
0x56: {  	_ =	shalt  }
0x57: {  	_ =	shalt  }
0x58: {  	_ =	shalt  }
0x59: {  	_ =	shalt  }
0x5a: {  	_ =	shalt  }
0x5b: {  	_ =	shalt  }
0x5c: {  	_ =	shalt  }
0x5d: {  	_ =	shalt  }
0x5e: {  	_ =	shalt  }
0x5f: {  	_ =	shalt  }
0x60: {  	_ =	shalt  }
0x61: {  	_ =	shalt  }
0x62: {  	_ =	shalt  }
0x63: {  	_ =	shalt  }
0x64: {  	_ =	shalt  }
0x65: {  	_ =	shalt  }
0x66: {  	_ =	shalt  }
0x67: {  	_ =	shalt  }
0x68: {  	_ =	shalt  }
0x69: {  	_ =	shalt  }
0x6a: {  	_ =	shalt  }
0x6b: {  	_ =	shalt  }
0x6c: {  	_ =	shalt  }
0x6d: {  	_ =	shalt  }
0x6e: {  	_ =	shalt  }
0x6f: {  	_ =	shalt  }
0x70: {  	_ =	shalt  }
0x71: {  	_ =	shalt  }
0x72: {  	_ =	shalt  }
0x73: {  	_ =	shalt  }
0x74: {  	_ =	shalt  }
0x75: {  	_ =	shalt  }
0x76: {  	_ =	shalt  }
0x77: {  	_ =	shalt  }
0x78: {  	_ =	shalt  }
0x79: {  	_ =	shalt  }
0x7a: {  	_ =	shalt  }
0x7b: {  	_ =	shalt  }
0x7c: {  	_ =	shalt  }
0x7d: {  	_ =	shalt  }
0x7e: {  	_ =	shalt  }
0x7f: {  	_ =	shalt  }
0x80: {  	_ =	shalt  }
0x81: {  	_ =	shalt  }
0x82: {  	_ =	shalt  }
0x83: {  	_ =	shalt  }
0x84: {  	_ =	shalt  }
0x85: {  	_ =	shalt  }
0x86: {  	_ =	shalt  }
0x87: {  	_ =	shalt  }
.Lfunc_end0:
.L_simem_size_0:
called_computation_lowered:
.L_overlay_start_0:
0x88: {  	s2 =	sld [smem:$0x3FD9]  }
0x89: {  	s3 =	sld [smem:$0x3FFE];
	_ =	sdelay $0x1  }
0x8a: {  	s1 =	srdreg.scid  }
0x8b: {  	s0 =	sand.u32 $0x1, s1  }
0x8c: {  	s17 =	sshll.u32 s0, $0xA;
	s2 =	sadd.s32 s3, s2  }
0x8d: {  	s2 =	sadd.s32 s2, s17  }
0x8e: {  	[smem:$0x3FC5] =	sst s2  }
0x8f: {  	_ = 	snop  }
0x90: {  	s2 =	sld [smem:$0x3FC9]  }
0x91: {  	s18 =	sld [smem:$0x3FD0];
	(tm) =	ssettm $0x1  }
0x92: {  	s4 =	sld [smem:$0x3FFB];
	_ =	sdelay $0x3  }
0x93: {  	_ =	strace s4  }
0x94: {  	s4 =	sld [smem:$0x3FFC];
	_ =	sdelay $0x3  }
0x95: {  	_ =	strace s4  }
0x96: {  	s4 =	sld [smem:$0x3FFD];
	_ =	sdelay $0x3  }
0x97: {  	_ =	strace s4  }
0x98: {  	_ =	strace $0x8FFFFFFF  }
0x99: {  	s19 =	sld [smem:$0x3FDB];
	_ =	sdelay $0x1  }
0x9a: {  	s5 =	simm.s32 $_scs_section_size  }
0x9b: {  	s6 =	simm.s32 $_size__tile_overlayer_lowered;
	s7 =	simm.s32 $_tile_overlayer_lowered  }
0x9c: {  	s22 =	simm.s32 $0x1BFF;
	s21 =	sshll.u32 s7, $0x1;
	s4 =	sadd.s32 s5, s19  }
0x9d: {  	s8 =	simm.s32 $0x0;
	s20 =	sshll.u32 s6, $0x1;
	s6 =	sadd.s32 s21, s4  }
0x9e: {  	[timem:s8], [sflag:s22] =	dma.local [hbm:s6], s20  }
0x9f: {  	_ =	swait.ge [sflag:s22], s20  }
0xa0: {  	s5 =	ssub.s32 $0x0, s20;
	[sflag:s22] =	ssyncset.done $0x0  }
0xa1: {  	[sflag:s22] =	ssyncadd.s32 s5;
	_ =	sdelay $0x1  }
0xa2: {  	s23 =	simm.s32 $0x1B8B  }
0xa3: {  	_ =	swait.ge [sflag:s23], $0x1  }
0xa4: {  	[sflag:s23] =	ssyncset.done $0x0  }
0xa5: {  	s25 =	simm.s32 $0x1B8E;
	s24 =	sld [smem:$0x3FFE];
	[sflag:s23] =	ssyncadd.s32 $0xFFFFFFFF  }
0xa6: {  	s26 =	simm.s32 $execute0_lowered;
	[smem:$0x3FD2] =	sst s25  }
0xa7: {  	s6 =	sshll.u32 s26, $0x1;
	_ =	strace $0x80000046;
	[dreg:$0x1] =	wrdreg $0xFFFFFFFF  }
0xa8: {  	s28 =	simm.s32 $_size_execute0_lowered;
	s4 =	sadd.s32 s4, s6;
	[dreg:$0x0] =	wrdreg $0x0  }
0xa9: {  	s6 =	sshll.u32 s28, $0x1;
	[dreg:$0x2] =	wrdreg s4  }
0xaa: {  	[dreg:$0x3] =	wrdreg s6  }
0xab: {  	[dreg:$0x4] =	wrdreg $0xC0  }
0xac: {  	_ =	task [dreg:s8], $0x5FFFF  }
0xad: {  	[dreg:$0x1] =	wrdreg $0xFFFFFFFF  }
0xae: {  	[dreg:$0x0] =	wrdreg $0x60  }
0xaf: {  	[dreg:$0x2] =	wrdreg s2  }
0xb0: {  	[dreg:$0x3] =	wrdreg s24  }
0xb1: {  	[dreg:$0x4] =	wrdreg s18  }
0xb2: {  	[dreg:$0x5] =	wrdreg $0x9  }
0xb3: {  	_ =	task.clear_ibuf [dreg:s8], $0x6FFFF;
	_ =	strace $0x90000046  }
0xb4: {  	s29 =	simm.s32 $0x9;
	_ =	strace $0x80000048  }
0xb5: {  	_ =	swait.ge [sflag:s29], $0x1  }
0xb6: {  	[sflag:s29] =	ssyncadd.s32 $0xFFFFFFFF  }
0xb7: {  	_ =	strace $0x90000048  }
0xb8: {  	_ =	sfence  }
0xb9: {  	s30 =	sld [smem:$0x0];
	_ =	sdelay $0x2  }
0xba: {  	s31 =	sshll.u32 s1, $0xD;
	s1 =	sshrl.u32 s1, $0x2  }
0xbb: {  	s3 =	sand.u32 $0x4000, s31;
	s1 =	sadd.s32 s1, s30  }
0xbc: {  	s0 =	sor.u32 s3, s0;
	s1 =	sshll.u32 s1, $0x11  }
0xbd: {  	s0 =	sor.u32 s1, s0  }
0xbe: {  	s0 =	sadd.s32 $0x8F2B, s0  }
0xbf: {  	[sflag:s0] =	ssyncadd.remote.s32 $0x1  }
0xc0: {  	_ =	sfence.sel $0xFFFF  }
0xc1: {  	[dreg:$0x0] =	wrdreg $0xFFFFFFFF;
	(pc) =	sbr.abs _section_cstart, $3  }
0xc2: {  	[dreg:$0x1] =	wrdreg $0xFFFFFFFF  }
0xc3: {  	_ =	task.clear_ibuf [dreg:s8], $0x2FFFF;
	_ =	strace $0x9FFFFFFF  }
0xc4: {  	(tm) =	ssettm $0x7FFFFFFF  }
0xc5: {  	_ =	shalt  }
tec
execute0_lowered:
.L_overlay_start_1:
0x0: {  	(tag) =	ssettag $0x1  }
0x1: {  	s0 =	rddreg [dreg:$0x0]  }
0x2: {  	s1 =	rddreg [dreg:$0x1]  }
0x3: {  	s2 =	rddreg [dreg:$0x2]  }
0x4: {  	s3 =	srdreg.scid;
	s10 =	simm.s32 $0x0;
	s6 =	stileid.u32  }
0x5: {  	s8 =	simm.s32 $0x1;
	s9 =	simm.s32 $0x400;
	s4 =	sand.u32 $0x1, s3  }
0x6: {  	[smem:$0x7FF] =	sst s10;
	s28 =	sshll.u32 s6, $0x8;
	s6 =	sshll.u32 s6, $0xA  }
0x7: {  	s11 =	sadd.s32 $0x400, s1;
	s5 =	sshll.u32 s4, $0x7;
	_ =	strace $0x80000047  }
0x8: {  	s7 =	ssub.s32 $0x2, s4;
	s4 =	sadd.s32 $0xF42800, s1;
	s5 =	sor.u32 s5, s28  }
.Ltmp0:
0x9: {  	s29 =	sshrl.u32 s7, $0x1;
	s6 =	sor.u32 s6, s5;
	(pc) =	sbr.rel .LBB2_1-.Ltmp0, $4  }
0xa: {  	s1 =	ssub.s32 s7, s29;
	s0 =	sadd.s32 s0, s5;
	s6 =	sand.u32 $0x3380, s6  }
0xb: {  	v0 =	vlaneseq.u32;
	[dreg:$0xf] =	wrdreg s0;
	s31 =	smax.u32 s1, $0x1;
	s30 =	sshrl.u32 s6, $0x3  }
0xc: {  	s12 =	simm.s32 $0x8400;
	v0 =	vmul.u32 $0x80, v0;
	[dreg:$0x11] =	wrdreg s31;
	s0 =	sadd.s32 s2, s30  }
0xd: {  	s1 =	simm.s32 $0x2;
	s2 =	simm.s32 $0x0;
	[dreg:$0x10] =	wrdreg s0  }
.LBB2_13:
0xe: {  	s0 =	rddreg [dreg:$0x10];
	s1 =	simm.s32 $0x80;
	s2 =	simm.s32 $0x10400  }
0xf: {  	[hbm4b:s0+s1] =	stream.strided.scatter [tilespmem:s2], [sflag:$0x2], $0x200, s9, s1, $0x38;
	[tilespmem:$0x10600] =	vst v63  }
0x10: {  	s1 =	simm.s32 $0x2  }
0x11: {  	_ =	swait.ge [sflag:s1], $0x200  }
0x12: {  	s30 =	rddreg [dreg:$0x12]  }
0x13: {  	s31 =	rddreg [dreg:$0x11];
	s2 =	sadd.s32 $0x1, s30  }
0x14: {  	p0 =	sne.s32 s2, s31  }
.Ltmp1:
0x15: {  	_ = 	snop;
	(pc) =	sbr.rel @!p0 .LBB2_14-.Ltmp1, $3  }
0x16: {  	_ =	sdelay $0x1  }
0x17: {  	[sflag:s1] =	ssyncset.done $0x0  }
0x18: {  	[sflag:s1] =	ssyncadd.s32 $0xFFFFFE00  }
.LBB2_1:
0x19: {  	[dreg:$0x12] =	wrdreg s2  }
0x1a: {  	s0 =	rddreg [dreg:$0xf]  }
0x1b: {  	[tilespmem:s10], [sflag:$0x2] =	stream.linear.gather [hbm4b:s0+s10], $0x400, $0x38;
	[tilespmem:$0x10600] =	vst v63  }
0x1c: {  	_ =	swait.ge [sflag:s1], $0x400  }
0x1d: {  	[sflag:s1] =	ssyncset.done $0x0  }
0x1e: {  	p1 =	por $0x1, $0x1;
	s13 =	simm.s32 $0x0;
	[sflag:s1] =	ssyncadd.s32 $0xFFFFFC00  }
.LBB2_2:
0x1f: {  	p2 =	por $0x0, $0x0  }
.Ltmp2:
0x20: {  	s0 =	sshll.u32 s13, $0x9;
	(pc) =	sbr.rel @p2 .LBB2_3-.Ltmp2, $4  }
0x21: {  	s0 =	sand.u32 $0x3FFFFE00, s0  }
0x22: {  	s1 =	simm.s32 $0x0;
	s3 =	simm.s32 $0x2000;
	[dreg:$0x4] =	wrdreg s0  }
0x23: {  	p0 =	por p1, p1;
	s2 =	sand.u32 $0x100, s1;
	s0 =	rddreg [dreg:$0x4]  }
0x24: {  	p1 =	por $0x0, $0x0;
	s29 =	sand.u32 $0x70, s1;
	s15 =	sadd.s32 s2, s0  }
0x25: {  	s0 =	sadd.s32 s29, s15  }
0x26: {  	v1 =	vld [tilespmem:s0+$0x0]  }
0x27: {  	v3 =	vld [tilespmem:s0+$0x80];
	_ =	sdelay $0x3  }
0x28: {  	v2 =	vshll.u32 v1, $0x4  }
0x29: {  	v1 =	vshll.u32 v3, $0x4;
	(v2sf) =	vpush v2, $0x0  }
0x2a: {  	(v2sf) =	vpush v1, $0x1  }
0x2b: {  	(v2sf) =	vpush v1, $0x0;
	_ =	sdelay $0x1  }
0x2c: {  	(v2sf) =	vpush v2, $0x1;
	_ =	sdelay $0x2  }
0x2d: {  	(v2sf) =	vpush v2, $0x2;
	_ =	sdelay $0x1  }
0x2e: {  	[dreg:$0x13] =	wrdreg s13;
	p2 =	por $0x0, $0x0;
	s18 =	simm.s32 $0x4000;
	(v2sf) =	vpush v1, $0x2  }
0x2f: {  	s16 =	simm.s32 $0x0;
	s9 =	simm.s32 $0x10;
	s6 =	simm.s32 $0x8600  }
0x30: {  	s5 =	simm.s32 $0x680;
	s1 =	simm.s32 $0x8800;
	s21 =	simm.s32 $0x400;
	(v2sf) =	vpush v2, $0x3  }
0x31: {  	s2 =	simm.s32 $0x8580;
	s28 =	simm.s32 $0x8880;
	s8 =	simm.s32 $0x8400  }
0x32: {  	s19 =	simm.s32 $0x8500;
	s30 =	simm.s32 $0x900;
	s13 =	simm.s32 $0x500;
	(v2sf) =	vpush v1, $0x3  }
0x33: {  	s15 =	simm.s32 $0x600;
	s23 =	simm.s32 $0x8900;
	s25 =	simm.s32 $0x480  }
0x34: {  	s26 =	simm.s32 $0x8480;
	p1 =	por $0x1, $0x1;
	s7 =	spop (v2sf)  }
0x35: {  	s29 =	sand.u32 $0x70, s9;
	s7 =	sand.u32 $0x1FFFFFF0, s7;
	s12 =	spop (v2sf)  }
0x36: {  	(v2sf) =	vpush v2, $0x4;
	s7 =	sadd.s32 s11, s7;
	s14 =	spop (v2sf);
	s12 =	sand.u32 $0x1FFFFFF0, s12  }
0x37: {  	[tilespmem:s21], [sflag:$0x1] =	stream.linear.gather [hbm4b:s7+s10], $0x80, $0x38;
	[tilespmem:$0x10600] =	vst v63  }
0x38: {  	s22 =	sand.u32 $0x1FFFFFF0, s14;
	s7 =	simm.s32 $0x8680;
	s24 =	spop (v2sf)  }
0x39: {  	(v2sf) =	vpush v1, $0x4;
	s12 =	sadd.s32 s4, s12;
	s0 =	sadd.s32 s4, s22;
	s14 =	sand.u32 $0x1FFFFFF0, s24  }
0x3a: {  	(v2sf) =	vpush v2, $0x5;
	[tilespmem:s8], [sflag:$0x1] =	stream.linear.gather [hbm4b:s0+s10], $0x80, $0x38;
	[tilespmem:$0x10600] =	vst v63  }
0x3b: {  	s17 =	spop (v2sf);
	s0 =	simm.s32 $0x780;
	s14 =	sadd.s32 s11, s14  }
0x3c: {  	(v2sf) =	vpush v1, $0x5;
	[tilespmem:s25], [sflag:$0x1] =	stream.linear.gather [hbm4b:s14+s10], $0x80, $0x38;
	[tilespmem:$0x10600] =	vst v63  }
0x3d: {  	s31 =	sand.u32 $0x1FFFFFF0, s17;
	s17 =	simm.s32 $0x980;
	s20 =	spop (v2sf)  }
0x3e: {  	(v2sf) =	vpush v2, $0x6;
	[tilespmem:s26], [sflag:$0x1] =	stream.linear.gather [hbm4b:s12+s10], $0x80, $0x38;
	[tilespmem:$0x10600] =	vst v63  }
0x3f: {  	s21 =	sadd.s32 s11, s31;
	s8 =	sand.u32 $0x1FFFFFF0, s20;
	s22 =	spop (v2sf)  }
0x40: {  	(v2sf) =	vpush v1, $0x6;
	[tilespmem:s13], [sflag:$0x1] =	stream.linear.gather [hbm4b:s21+s10], $0x80, $0x38;
	[tilespmem:$0x10600] =	vst v63  }
0x41: {  	s24 =	spop (v2sf);
	s8 =	sadd.s32 s4, s8;
	s13 =	sand.u32 $0x1FFFFFF0, s22  }
0x42: {  	[tilespmem:s19], [sflag:$0x1] =	stream.linear.gather [hbm4b:s8+s10], $0x80, $0x38;
	[tilespmem:$0x10600] =	vst v63  }
0x43: {  	s25 =	simm.s32 $0x580;
	s14 =	sand.u32 $0x1FFFFFF0, s24;
	s13 =	sadd.s32 s11, s13  }
0x44: {  	(v2sf) =	vpush v2, $0x7;
	[tilespmem:s25], [sflag:$0x1] =	stream.linear.gather [hbm4b:s13+s10], $0x80, $0x38;
	[tilespmem:$0x10600] =	vst v63  }
0x45: {  	s12 =	simm.s32 $0x700;
	s14 =	sadd.s32 s4, s14;
	s26 =	spop (v2sf)  }
0x46: {  	s22 =	simm.s32 $0x20;
	s8 =	simm.s32 $0x8780;
	(v2sf) =	vpush v1, $0x7;
	s31 =	sand.u32 $0x1FFFFFF0, s26  }
0x47: {  	[tilespmem:s2], [sflag:$0x1] =	stream.linear.gather [hbm4b:s14+s10], $0x80, $0x38;
	[tilespmem:$0x10600] =	vst v63  }
0x48: {  	s2 =	simm.s32 $0x880;
	s14 =	spop (v2sf);
	s19 =	sadd.s32 s11, s31  }
0x49: {  	(v2sf) =	vpush v2, $0x8;
	s31 =	simm.s32 $0x8700;
	s13 =	sand.u32 $0x1FFFFFF0, s14;
	s20 =	spop (v2sf)  }
0x4a: {  	[tilespmem:s15], [sflag:$0x1] =	stream.linear.gather [hbm4b:s19+s10], $0x80, $0x38;
	[tilespmem:$0x10600] =	vst v63  }
0x4b: {  	(v2sf) =	vpush v1, $0x8;
	s14 =	sand.u32 $0x1FFFFFF0, s20;
	s13 =	sadd.s32 s4, s13;
	s21 =	spop (v2sf)  }
0x4c: {  	[tilespmem:s6], [sflag:$0x1] =	stream.linear.gather [hbm4b:s13+s10], $0x80, $0x38;
	[tilespmem:$0x10600] =	vst v63  }
0x4d: {  	s14 =	sadd.s32 s11, s14;
	s24 =	sand.u32 $0x1FFFFFF0, s21;
	s25 =	spop (v2sf)  }
0x4e: {  	(v2sf) =	vpush v2, $0x9;
	[tilespmem:s5], [sflag:$0x1] =	stream.linear.gather [hbm4b:s14+s10], $0x80, $0x38;
	[tilespmem:$0x10600] =	vst v63  }
0x4f: {  	s13 =	sand.u32 $0x1FFFFFF0, s25;
	s26 =	spop (v2sf);
	s5 =	sadd.s32 s4, s24  }
0x50: {  	(v2sf) =	vpush v1, $0x9;
	[tilespmem:s7], [sflag:$0x1] =	stream.linear.gather [hbm4b:s5+s10], $0x80, $0x38;
	[tilespmem:$0x10600] =	vst v63  }
0x51: {  	s15 =	rddreg [dreg:$0x4];
	(v2sf) =	vpush v2, $0xA;
	s19 =	sand.u32 $0x1FFFFFF0, s26;
	s13 =	sadd.s32 s11, s13  }
0x52: {  	(v2sf) =	vpush v1, $0xA;
	[tilespmem:s12], [sflag:$0x1] =	stream.linear.gather [hbm4b:s13+s10], $0x80, $0x38;
	[tilespmem:$0x10600] =	vst v63  }
0x53: {  	s6 =	simm.s32 $0x800;
	s20 =	spop (v2sf);
	s7 =	sadd.s32 s4, s19  }
0x54: {  	(v2sf) =	vpush v2, $0xB;
	[tilespmem:s31], [sflag:$0x1] =	stream.linear.gather [hbm4b:s7+s10], $0x80, $0x38;
	[tilespmem:$0x10600] =	vst v63  }
0x55: {  	s26 =	sand.u32 $0x100, s22;
	s21 =	sand.u32 $0x1FFFFFF0, s20;
	s25 =	spop (v2sf)  }
0x56: {  	s14 =	simm.s32 $0xB00;
	s5 =	sadd.s32 s11, s21;
	s7 =	sand.u32 $0x1FFFFFF0, s25  }
0x57: {  	[tilespmem:s0], [sflag:$0x1] =	stream.linear.gather [hbm4b:s5+s10], $0x80, $0x38;
	[tilespmem:$0x10600] =	vst v63  }
0x58: {  	s24 =	simm.s32 $0x8B00;
	s31 =	spop (v2sf);
	s7 =	sadd.s32 s4, s7  }
0x59: {  	[tilespmem:s8], [sflag:$0x1] =	stream.linear.gather [hbm4b:s7+s10], $0x80, $0x38;
	[tilespmem:$0x10600] =	vst v63  }
0x5a: {  	s15 =	sadd.s32 s26, s15;
	s0 =	sand.u32 $0x1FFFFFF0, s31;
	s8 =	spop (v2sf)  }
0x5b: {  	s19 =	simm.s32 $0xA00;
	s5 =	sand.u32 $0x1FFFFFF0, s8;
	s0 =	sadd.s32 s11, s0  }
0x5c: {  	[tilespmem:s6], [sflag:$0x1] =	stream.linear.gather [hbm4b:s0+s10], $0x80, $0x38;
	[tilespmem:$0x10600] =	vst v63  }
0x5d: {  	s25 =	simm.s32 $0xA80;
	s13 =	spop (v2sf);
	s5 =	sadd.s32 s4, s5  }
0x5e: {  	(v2sf) =	vpush v1, $0xB;
	[tilespmem:s1], [sflag:$0x1] =	stream.linear.gather [hbm4b:s5+s10], $0x80, $0x38;
	[tilespmem:$0x10600] =	vst v63  }
.Ltmp3:
0x5f: {  	(v2sf) =	vpush v2, $0xC;
	s0 =	simm.s32 $0x8980;
	s21 =	spop (v2sf);
	(pc) =	sbr.rel @p2 .LBB2_5-.Ltmp3, $4  }
0x60: {  	(v2sf) =	vpush v1, $0xC;
	s20 =	sand.u32 $0x1FFFFFF0, s13;
	s26 =	spop (v2sf);
	s5 =	sand.u32 $0x1FFFFFF0, s21  }
0x61: {  	(v2sf) =	vpush v2, $0xD;
	s1 =	sadd.s32 s11, s20;
	s31 =	spop (v2sf);
	s7 =	sadd.s32 s4, s5  }
0x62: {  	(v2sf) =	vpush v1, $0xD;
	[tilespmem:s2], [sflag:$0x1] =	stream.linear.gather [hbm4b:s1+s10], $0x80, $0x38;
	[tilespmem:$0x10600] =	vst v63  }
0x63: {  	(v2sf) =	vpush v2, $0xE;
	s5 =	sand.u32 $0x1FFFFFF0, s31;
	s6 =	spop (v2sf);
	s2 =	sand.u32 $0x1FFFFFF0, s26  }
.LBB2_6:
0x64: {  	_ =	sdelay $0x3  }
0x65: {  	[tilespmem:s28], [sflag:$0x1] =	stream.linear.gather [hbm4b:s7+s10], $0x80, $0x38;
	[tilespmem:$0x10600] =	vst v63  }
0x66: {  	(v2sf) =	vpush v1, $0xE;
	s1 =	sadd.s32 s11, s2  }
0x67: {  	[tilespmem:s30], [sflag:$0x1] =	stream.linear.gather [hbm4b:s1+s10], $0x80, $0x38;
	[tilespmem:$0x10600] =	vst v63  }
0x68: {  	s5 =	sadd.s32 s4, s5;
	s8 =	sand.u32 $0x1FFFFFF0, s6  }
0x69: {  	[tilespmem:s23], [sflag:$0x1] =	stream.linear.gather [hbm4b:s5+s10], $0x80, $0x38;
	[tilespmem:$0x10600] =	vst v63  }
0x6a: {  	s2 =	sadd.s32 $0x8A80, s16;
	s13 =	sadd.s32 s11, s8;
	s31 =	spop (v2sf);
	(v2sf) =	vpush v2, $0xF  }
0x6b: {  	[tilespmem:s17], [sflag:$0x1] =	stream.linear.gather [hbm4b:s13+s10], $0x80, $0x38;
	[tilespmem:$0x10600] =	vst v63  }
0x6c: {  	s20 =	sadd.s32 $0x8A00, s16;
	s12 =	sand.u32 $0x1FFFFFF0, s31;
	(v2sf) =	vpush v1, $0xF;
	s21 =	spop (v2sf)  }
0x6d: {  	s23 =	sadd.s32 s4, s12;
	s26 =	sand.u32 $0x1FFFFFF0, s21;
	s31 =	spop (v2sf)  }
0x6e: {  	[tilespmem:s0], [sflag:$0x1] =	stream.linear.gather [hbm4b:s23+s10], $0x80, $0x38;
	[tilespmem:$0x10600] =	vst v63  }
0x6f: {  	s6 =	sadd.s32 s11, s26;
	s8 =	sand.u32 $0x1FFFFFF0, s31;
	s12 =	spop (v2sf)  }
0x70: {  	[tilespmem:s19], [sflag:$0x1] =	stream.linear.gather [hbm4b:s6+s10], $0x80, $0x38;
	[tilespmem:$0x10600] =	vst v63  }
0x71: {  	s13 =	sadd.s32 s4, s8;
	s17 =	sand.u32 $0x1FFFFFF0, s12;
	s19 =	spop (v2sf)  }
0x72: {  	[tilespmem:s20], [sflag:$0x1] =	stream.linear.gather [hbm4b:s13+s10], $0x80, $0x38;
	[tilespmem:$0x10600] =	vst v63  }
0x73: {  	s21 =	sand.u32 $0x1FFFFFF0, s19;
	s23 =	spop (v2sf);
	s20 =	sadd.s32 s11, s17  }
0x74: {  	[tilespmem:s25], [sflag:$0x1] =	stream.linear.gather [hbm4b:s20+s10], $0x80, $0x38;
	[tilespmem:$0x10600] =	vst v63  }
0x75: {  	s26 =	sand.u32 $0x1FFFFFF0, s23;
	s31 =	spop (v2sf);
	s25 =	sadd.s32 s4, s21  }
0x76: {  	[tilespmem:s2], [sflag:$0x1] =	stream.linear.gather [hbm4b:s25+s10], $0x80, $0x38;
	[tilespmem:$0x10600] =	vst v63  }
0x77: {  	s1 =	sadd.s32 s11, s26;
	s2 =	sand.u32 $0x1FFFFFF0, s31  }
0x78: {  	[tilespmem:s14], [sflag:$0x1] =	stream.linear.gather [hbm4b:s1+s10], $0x80, $0x38;
	[tilespmem:$0x10600] =	vst v63  }
0x79: {  	s6 =	sadd.s32 s4, s2;
	s5 =	spop (v2sf)  }
0x7a: {  	[tilespmem:s24], [sflag:$0x1] =	stream.linear.gather [hbm4b:s6+s10], $0x80, $0x38;
	[tilespmem:$0x10600] =	vst v63  }
0x7b: {  	s7 =	sand.u32 $0x1FFFFFF0, s5;
	s8 =	spop (v2sf)  }
0x7c: {  	s12 =	sadd.s32 $0xB80, s16;
	s1 =	sadd.s32 s11, s7;
	s2 =	sand.u32 $0x1FFFFFF0, s8  }
0x7d: {  	[tilespmem:s12], [sflag:$0x1] =	stream.linear.gather [hbm4b:s1+s10], $0x80, $0x38;
	[tilespmem:$0x10600] =	vst v63  }
0x7e: {  	s13 =	sadd.s32 s29, s15;
	s14 =	sadd.s32 $0x8B80, s16;
	s2 =	sadd.s32 s4, s2  }
0x7f: {  	[tilespmem:s14], [sflag:$0x1] =	stream.linear.gather [hbm4b:s2+s10], $0x80, $0x38;
	[tilespmem:$0x10600] =	vst v63  }
0x80: {  	v1 =	vld [tilespmem:s13+$0x0];
	_ =	sdelay $0x1  }
0x81: {  	v3 =	vld [tilespmem:s13+$0x80];
	_ =	sdelay $0x2  }
0x82: {  	v2 =	vshll.u32 v1, $0x4  }
0x83: {  	p2 =	seq.s32 s18, $0x1E000;
	s15 =	smov.u32 s18;
	(v2sf) =	vpush v2, $0x0  }
0x84: {  	s9 =	sadd.s32 $0x10, s9;
	s22 =	sadd.s32 $0x20, s22;
	s17 =	smov.u32 s15;
	v1 =	vshll.u32 v3, $0x4  }
0x85: {  	s18 =	sadd.s32 $0x2000, s18;
	[dreg:$0x5] =	wrdreg s17;
	s16 =	sshra.s32 s3, $0x2;
	(v2sf) =	vpush v1, $0x1  }
0x86: {  	s3 =	rddreg [dreg:$0x4];
	s19 =	sadd.s32 $0x8600, s16;
	s20 =	sadd.s32 $0x680, s16;
	(v2sf) =	vpush v1, $0x0  }
0x87: {  	s21 =	sadd.s32 $0x8800, s16;
	s29 =	sadd.s32 $0x400, s16;
	s28 =	sadd.s32 $0x8880, s16  }
0x88: {  	s30 =	sadd.s32 $0x900, s16;
	s23 =	sadd.s32 $0x8680, s16;
	[dreg:$0xc] =	wrdreg s19;
	(v2sf) =	vpush v2, $0x1  }
0x89: {  	s17 =	sadd.s32 $0x980, s16;
	s31 =	sadd.s32 $0x480, s16;
	[dreg:$0xb] =	wrdreg s20;
	(v2sf) =	vpush v2, $0x2  }
0x8a: {  	s25 =	sadd.s32 $0x700, s16;
	s26 =	sadd.s32 $0x8780, s16;
	[dreg:$0x6] =	wrdreg s21  }
0x8b: {  	s0 =	sadd.s32 $0x8980, s16;
	s6 =	sadd.s32 $0x8580, s16;
	[dreg:$0xe] =	wrdreg s23;
	(v2sf) =	vpush v1, $0x2  }
0x8c: {  	s21 =	sadd.s32 $0x8400, s16;
	s20 =	sadd.s32 $0x8500, s16;
	[dreg:$0xd] =	wrdreg s25  }
0x8d: {  	s24 =	sadd.s32 $0x780, s16;
	[dreg:$0x8] =	wrdreg s26;
	s19 =	sadd.s32 $0xA00, s16;
	(v2sf) =	vpush v2, $0x3  }
0x8e: {  	s23 =	sadd.s32 $0x580, s16;
	s5 =	sadd.s32 $0x600, s16;
	[dreg:$0x9] =	wrdreg s24  }
0x8f: {  	s24 =	sadd.s32 $0x8B00, s16;
	s8 =	sadd.s32 $0x8900, s16;
	s7 =	sadd.s32 $0x800, s16  }
0x90: {  	s12 =	sadd.s32 $0x500, s16;
	s1 =	sadd.s32 $0x880, s16;
	[dreg:$0xa] =	wrdreg s7  }
0x91: {  	s7 =	sadd.s32 $0x8700, s16;
	[dreg:$0x7] =	wrdreg s1;
	s1 =	sadd.s32 $0xA80, s16;
	(v2sf) =	vpush v1, $0x3  }
0x92: {  	s2 =	sadd.s32 $0x8480, s16;
	s10 =	sand.u32 $0x100, s22;
	s13 =	spop (v2sf)  }
0x93: {  	s14 =	sadd.s32 $0xB00, s16;
	s15 =	sadd.s32 s10, s3;
	(v2sf) =	vpush v2, $0x4;
	s3 =	sand.u32 $0x1FFFFFF0, s13  }
0x94: {  	s13 =	smov.u32 s4;
	s25 =	spop (v2sf);
	s3 =	sadd.s32 s11, s3  }
0x95: {  	(v2sf) =	vpush v1, $0x4;
	s4 =	sand.u32 $0x1FFFFFF0, s25;
	s25 =	simm.s32 $0x0;
	s26 =	spop (v2sf)  }
0x96: {  	(v2sf) =	vpush v2, $0x5;
	[tilespmem:s29], [sflag:$0x1] =	stream.linear.gather [hbm4b:s3+s25], $0x80, $0x38;
	[tilespmem:$0x10600] =	vst v63  }
0x97: {  	s29 =	sand.u32 $0x70, s9;
	s10 =	sand.u32 $0x1FFFFFF0, s26;
	s26 =	spop (v2sf)  }
0x98: {  	s3 =	sadd.s32 s13, s10;
	s10 =	sand.u32 $0x1FFFFFF0, s26;
	s26 =	spop (v2sf)  }
0x99: {  	[tilespmem:s21], [sflag:$0x1] =	stream.linear.gather [hbm4b:s3+s25], $0x80, $0x38;
	[tilespmem:$0x10600] =	vst v63  }
0x9a: {  	(v2sf) =	vpush v1, $0x5;
	s3 =	sadd.s32 s11, s10;
	s10 =	sand.u32 $0x1FFFFFF0, s26;
	s21 =	spop (v2sf)  }
0x9b: {  	(v2sf) =	vpush v2, $0x6;
	[tilespmem:s31], [sflag:$0x1] =	stream.linear.gather [hbm4b:s3+s25], $0x80, $0x38;
	[tilespmem:$0x10600] =	vst v63  }
0x9c: {  	(v2sf) =	vpush v1, $0x6;
	s26 =	sadd.s32 s13, s4;
	s4 =	sand.u32 $0x1FFFFFF0, s21;
	s31 =	spop (v2sf)  }
0x9d: {  	[tilespmem:s2], [sflag:$0x1] =	stream.linear.gather [hbm4b:s26+s25], $0x80, $0x38;
	[tilespmem:$0x10600] =	vst v63  }
0x9e: {  	s10 =	sadd.s32 s11, s10;
	s3 =	rddreg [dreg:$0x5];
	s21 =	sand.u32 $0x1FFFFFF0, s31  }
0x9f: {  	[tilespmem:s12], [sflag:$0x1] =	stream.linear.gather [hbm4b:s10+s25], $0x80, $0x38;
	[tilespmem:$0x10600] =	vst v63  }
0xa0: {  	(v2sf) =	vpush v2, $0x7;
	s31 =	sadd.s32 s13, s4;
	s26 =	spop (v2sf);
	s21 =	sadd.s32 s11, s21  }
0xa1: {  	[tilespmem:s20], [sflag:$0x1] =	stream.linear.gather [hbm4b:s31+s25], $0x80, $0x38;
	[tilespmem:$0x10600] =	vst v63  }
0xa2: {  	(v2sf) =	vpush v1, $0x7;
	s4 =	sand.u32 $0x1FFFFFF0, s26;
	s12 =	spop (v2sf);
	s10 =	simm.s32 $0x0  }
0xa3: {  	[tilespmem:s23], [sflag:$0x1] =	stream.linear.gather [hbm4b:s21+s25], $0x80, $0x38;
	[tilespmem:$0x10600] =	vst v63  }
0xa4: {  	(v2sf) =	vpush v2, $0x8;
	s26 =	sand.u32 $0x1FFFFFF0, s12;
	s31 =	spop (v2sf);
	s23 =	smov.u32 s8  }
0xa5: {  	s8 =	sadd.s32 s13, s4;
	s12 =	sand.u32 $0x1FFFFFF0, s31;
	s20 =	spop (v2sf)  }
0xa6: {  	(v2sf) =	vpush v1, $0x8;
	[tilespmem:s6], [sflag:$0x1] =	stream.linear.gather [hbm4b:s8+s25], $0x80, $0x38;
	[tilespmem:$0x10600] =	vst v63  }
0xa7: {  	s21 =	sadd.s32 s11, s26;
	s6 =	sadd.s32 s13, s12;
	s26 =	sand.u32 $0x1FFFFFF0, s20  }
0xa8: {  	[tilespmem:s5], [sflag:$0x1] =	stream.linear.gather [hbm4b:s21+s25], $0x80, $0x38;
	[tilespmem:$0x10600] =	vst v63  }
0xa9: {  	(v2sf) =	vpush v2, $0x9;
	s31 =	spop (v2sf);
	s20 =	rddreg [dreg:$0xc];
	s25 =	smov.u32 s1  }
0xaa: {  	s8 =	sand.u32 $0x1FFFFFF0, s31;
	s12 =	spop (v2sf);
	s21 =	sadd.s32 s11, s26  }
0xab: {  	(v2sf) =	vpush v1, $0x9;
	s26 =	sand.u32 $0x1FFFFFF0, s12;
	s31 =	spop (v2sf);
	s8 =	sadd.s32 s13, s8  }
0xac: {  	(v2sf) =	vpush v2, $0xA;
	[tilespmem:s20], [sflag:$0x1] =	stream.linear.gather [hbm4b:s6+s10], $0x80, $0x38;
	[tilespmem:$0x10600] =	vst v63  }
0xad: {  	s6 =	rddreg [dreg:$0xb];
	s12 =	sand.u32 $0x1FFFFFF0, s31;
	s26 =	sadd.s32 s11, s26  }
0xae: {  	[tilespmem:s6], [sflag:$0x1] =	stream.linear.gather [hbm4b:s21+s10], $0x80, $0x38;
	[tilespmem:$0x10600] =	vst v63  }
0xaf: {  	(v2sf) =	vpush v1, $0xA;
	s20 =	spop (v2sf);
	s12 =	sadd.s32 s13, s12;
	s21 =	rddreg [dreg:$0xe]  }
0xb0: {  	[tilespmem:s21], [sflag:$0x1] =	stream.linear.gather [hbm4b:s8+s10], $0x80, $0x38;
	[tilespmem:$0x10600] =	vst v63  }
0xb1: {  	(v2sf) =	vpush v2, $0xB;
	s31 =	sand.u32 $0x1FFFFFF0, s20;
	s6 =	spop (v2sf);
	s8 =	rddreg [dreg:$0xd]  }
0xb2: {  	[tilespmem:s8], [sflag:$0x1] =	stream.linear.gather [hbm4b:s26+s10], $0x80, $0x38;
	[tilespmem:$0x10600] =	vst v63  }
0xb3: {  	s20 =	sand.u32 $0x1FFFFFF0, s6;
	s21 =	spop (v2sf);
	s26 =	sadd.s32 s11, s31  }
0xb4: {  	[tilespmem:s7], [sflag:$0x1] =	stream.linear.gather [hbm4b:s12+s10], $0x80, $0x38;
	[tilespmem:$0x10600] =	vst v63  }
0xb5: {  	s31 =	sand.u32 $0x1FFFFFF0, s21;
	s7 =	rddreg [dreg:$0x9];
	s6 =	spop (v2sf)  }
0xb6: {  	[tilespmem:s7], [sflag:$0x1] =	stream.linear.gather [hbm4b:s26+s10], $0x80, $0x38;
	[tilespmem:$0x10600] =	vst v63  }
0xb7: {  	s8 =	sadd.s32 s13, s20;
	s21 =	rddreg [dreg:$0x8];
	s12 =	sand.u32 $0x1FFFFFF0, s6  }
0xb8: {  	s26 =	sadd.s32 s11, s31;
	s7 =	rddreg [dreg:$0xa];
	s20 =	spop (v2sf)  }
0xb9: {  	[tilespmem:s21], [sflag:$0x1] =	stream.linear.gather [hbm4b:s8+s10], $0x80, $0x38;
	[tilespmem:$0x10600] =	vst v63  }
0xba: {  	s31 =	sand.u32 $0x1FFFFFF0, s20;
	s6 =	spop (v2sf);
	s8 =	sadd.s32 s13, s12  }
0xbb: {  	s20 =	rddreg [dreg:$0x6];
	s4 =	sand.u32 $0x1FFFFFF0, s6;
	s12 =	spop (v2sf)  }
0xbc: {  	(v2sf) =	vpush v1, $0xB;
	[tilespmem:s7], [sflag:$0x1] =	stream.linear.gather [hbm4b:s26+s10], $0x80, $0x38;
	[tilespmem:$0x10600] =	vst v63  }
.Ltmp4:
0xbd: {  	(v2sf) =	vpush v2, $0xC;
	s21 =	sadd.s32 s11, s31;
	s31 =	rddreg [dreg:$0x7];
	(pc) =	sbr.rel @!p2 .LBB2_6-.Ltmp4, $4  }
0xbe: {  	(v2sf) =	vpush v1, $0xC;
	s2 =	sand.u32 $0x1FFFFFF0, s12;
	s26 =	spop (v2sf);
	s7 =	sadd.s32 s13, s4  }
0xbf: {  	(v2sf) =	vpush v2, $0xD;
	[tilespmem:s20], [sflag:$0x1] =	stream.linear.gather [hbm4b:s8+s10], $0x80, $0x38;
	[tilespmem:$0x10600] =	vst v63  }
0xc0: {  	(v2sf) =	vpush v1, $0xD;
	s4 =	smov.u32 s13;
	s5 =	sand.u32 $0x1FFFFFF0, s26;
	s6 =	spop (v2sf)  }
0xc1: {  	(v2sf) =	vpush v2, $0xE;
	[tilespmem:s31], [sflag:$0x1] =	stream.linear.gather [hbm4b:s21+s10], $0x80, $0x38;
	[tilespmem:$0x10600] =	vst v63  }
0xc2: {  	s1 =	smov.u32 s3;
	s8 =	simm.s32 $0x1  }
0xc3: {  	s9 =	simm.s32 $0x400;
	s12 =	simm.s32 $0x8400;
	s13 =	rddreg [dreg:$0x13]  }
.LBB2_8:
0xc4: {  	[tilespmem:s28], [sflag:$0x1] =	stream.linear.gather @p1 [hbm4b:s7+s10], $0x80, $0x38;
	[tilespmem:$0x10600] =	vst v63  }
0xc5: {  	s2 =	sadd.s32 @p1 s11, s2  }
0xc6: {  	[tilespmem:s30], [sflag:$0x1] =	stream.linear.gather @p1 [hbm4b:s2+s10], $0x80, $0x38;
	[tilespmem:$0x10600] =	vst v63  }
0xc7: {  	s2 =	sadd.s32 @p1 s4, s5  }
0xc8: {  	[tilespmem:s23], [sflag:$0x1] =	stream.linear.gather @p1 [hbm4b:s2+s10], $0x80, $0x38;
	[tilespmem:$0x10600] =	vst v63  }
0xc9: {  	s2 =	sand.u32 @p1 $0x1FFFFFF0, s6  }
0xca: {  	s2 =	sadd.s32 @p1 s11, s2  }
0xcb: {  	[tilespmem:s17], [sflag:$0x1] =	stream.linear.gather @p1 [hbm4b:s2+s10], $0x80, $0x38;
	[tilespmem:$0x10600] =	vst v63  }
0xcc: {  	s2 =	spop @p1 (v2sf)  }
0xcd: {  	s2 =	sand.u32 @p1 $0x1FFFFFF0, s2  }
0xce: {  	s2 =	sadd.s32 @p1 s4, s2  }
0xcf: {  	[tilespmem:s0], [sflag:$0x1] =	stream.linear.gather @p1 [hbm4b:s2+s10], $0x80, $0x38;
	[tilespmem:$0x10600] =	vst v63  }
0xd0: {  	s0 =	spop @p1 (v2sf)  }
0xd1: {  	s0 =	sand.u32 @p1 $0x1FFFFFF0, s0  }
0xd2: {  	s0 =	sadd.s32 @p1 s11, s0  }
0xd3: {  	[tilespmem:s19], [sflag:$0x1] =	stream.linear.gather @p1 [hbm4b:s0+s10], $0x80, $0x38;
	[tilespmem:$0x10600] =	vst v63  }
0xd4: {  	s0 =	spop @p1 (v2sf)  }
0xd5: {  	(v2sf) =	vpush @p1 v1, $0xE;
	s0 =	sand.u32 @p1 $0x1FFFFFF0, s0  }
0xd6: {  	s2 =	sadd.s32 @p1 $0x8A00, s16;
	s0 =	sadd.s32 @p1 s4, s0  }
0xd7: {  	[tilespmem:s2], [sflag:$0x1] =	stream.linear.gather @p1 [hbm4b:s0+s10], $0x80, $0x38;
	[tilespmem:$0x10600] =	vst v63  }
0xd8: {  	s0 =	spop @p1 (v2sf)  }
0xd9: {  	(v2sf) =	vpush @p1 v2, $0xF;
	s0 =	sand.u32 @p1 $0x1FFFFFF0, s0  }
0xda: {  	s0 =	sadd.s32 @p1 s11, s0  }
0xdb: {  	[tilespmem:s25], [sflag:$0x1] =	stream.linear.gather @p1 [hbm4b:s0+s10], $0x80, $0x38;
	[tilespmem:$0x10600] =	vst v63  }
0xdc: {  	s0 =	spop @p1 (v2sf)  }
0xdd: {  	(v2sf) =	vpush @p1 v1, $0xF;
	s0 =	sand.u32 @p1 $0x1FFFFFF0, s0  }
0xde: {  	s2 =	sadd.s32 @p1 $0x8A80, s16;
	s0 =	sadd.s32 @p1 s4, s0  }
0xdf: {  	[tilespmem:s2], [sflag:$0x1] =	stream.linear.gather @p1 [hbm4b:s0+s10], $0x80, $0x38;
	[tilespmem:$0x10600] =	vst v63  }
0xe0: {  	s0 =	spop @p1 (v2sf)  }
0xe1: {  	s0 =	sand.u32 @p1 $0x1FFFFFF0, s0  }
0xe2: {  	s0 =	sadd.s32 @p1 s11, s0  }
0xe3: {  	[tilespmem:s14], [sflag:$0x1] =	stream.linear.gather @p1 [hbm4b:s0+s10], $0x80, $0x38;
	[tilespmem:$0x10600] =	vst v63  }
0xe4: {  	s0 =	spop @p1 (v2sf)  }
0xe5: {  	s0 =	sand.u32 @p1 $0x1FFFFFF0, s0  }
0xe6: {  	s0 =	sadd.s32 @p1 s4, s0  }
0xe7: {  	[tilespmem:s24], [sflag:$0x1] =	stream.linear.gather @p1 [hbm4b:s0+s10], $0x80, $0x38;
	[tilespmem:$0x10600] =	vst v63  }
0xe8: {  	s0 =	spop @p1 (v2sf)  }
0xe9: {  	s0 =	sand.u32 @p1 $0x1FFFFFF0, s0  }
0xea: {  	s2 =	sadd.s32 @p1 $0xB80, s16;
	s0 =	sadd.s32 @p1 s11, s0  }
0xeb: {  	[tilespmem:s2], [sflag:$0x1] =	stream.linear.gather @p1 [hbm4b:s0+s10], $0x80, $0x38;
	[tilespmem:$0x10600] =	vst v63  }
0xec: {  	s0 =	spop @p1 (v2sf)  }
0xed: {  	s0 =	sand.u32 @p1 $0x1FFFFFF0, s0  }
0xee: {  	s3 =	sadd.s32 @p1 $0x8B80, s16;
	s30 =	sadd.s32 s29, s15;
	s0 =	sadd.s32 @p1 s4, s0  }
0xef: {  	[tilespmem:s3], [sflag:$0x1] =	stream.linear.gather @p1 [hbm4b:s0+s10], $0x80, $0x38;
	[tilespmem:$0x10600] =	vst v63  }
0xf0: {  	v1 =	vld [tilespmem:s30+$0x0];
	_ =	sdelay $0x1  }
0xf1: {  	v3 =	vld [tilespmem:s30+$0x80];
	_ =	sdelay $0x2  }
0xf2: {  	v2 =	vshll.u32 v1, $0x4  }
0xf3: {  	(v2sf) =	vpush v2, $0x0  }
0xf4: {  	v1 =	vshll.u32 v3, $0x4  }
0xf5: {  	(v2sf) =	vpush v1, $0x1;
	_ =	sdelay $0x1  }
0xf6: {  	(v2sf) =	vpush v1, $0x0;
	_ =	sdelay $0x4  }
0xf7: {  	(v2sf) =	vpush v2, $0x1;
	_ =	sdelay $0x4  }
0xf8: {  	(v2sf) =	vpush v2, $0x2  }
0xf9: {  	s31 =	spop (v2sf);
	(v2sf) =	vpush v1, $0x2;
	_ =	sdelay $0x1  }
0xfa: {  	s6 =	spop (v2sf);
	(v2sf) =	vpush v2, $0x3;
	_ =	sdelay $0x1  }
0xfb: {  	s7 =	spop (v2sf);
	(v2sf) =	vpush v1, $0x3;
	_ =	sdelay $0x4  }
0xfc: {  	s15 =	spop (v2sf);
	(v2sf) =	vpush v2, $0x4;
	_ =	sdelay $0x1  }
0xfd: {  	s0 =	sshra.s32 s1, $0x2;
	s3 =	sand.u32 $0x1FFFFFF0, s31  }
0xfe: {  	s5 =	sadd.s32 $0x400, s0;
	s1 =	sadd.s32 s11, s3  }
0xff: {  	[tilespmem:s5], [sflag:$0x1] =	stream.linear.gather [hbm4b:s1+s10], $0x80, $0x38;
	[tilespmem:$0x10600] =	vst v63  }
0x100: {  	s1 =	sand.u32 $0x1FFFFFF0, s7;
	s19 =	spop (v2sf)  }
0x101: {  	s14 =	sadd.s32 $0x8400, s0;
	s1 =	sadd.s32 s4, s1;
	s21 =	spop (v2sf);
	(v2sf) =	vpush v1, $0x4  }
0x102: {  	[tilespmem:s14], [sflag:$0x1] =	stream.linear.gather [hbm4b:s1+s10], $0x80, $0x38;
	[tilespmem:$0x10600] =	vst v63  }
0x103: {  	s23 =	spop (v2sf);
	(v2sf) =	vpush v2, $0x5  }
0x104: {  	s16 =	sadd.s32 $0x480, s0;
	s1 =	sand.u32 $0x1FFFFFF0, s15  }
0x105: {  	s17 =	sand.u32 $0x1FFFFFF0, s6;
	s1 =	sadd.s32 s11, s1;
	s25 =	spop (v2sf);
	(v2sf) =	vpush v1, $0x5  }
0x106: {  	[tilespmem:s16], [sflag:$0x1] =	stream.linear.gather [hbm4b:s1+s10], $0x80, $0x38;
	[tilespmem:$0x10600] =	vst v63  }
0x107: {  	s18 =	sadd.s32 $0x8480, s0;
	s1 =	sadd.s32 s4, s17  }
0x108: {  	[tilespmem:s18], [sflag:$0x1] =	stream.linear.gather [hbm4b:s1+s10], $0x80, $0x38;
	[tilespmem:$0x10600] =	vst v63  }
0x109: {  	s1 =	sand.u32 $0x1FFFFFF0, s19  }
0x10a: {  	s20 =	sadd.s32 $0x500, s0;
	s1 =	sadd.s32 s11, s1;
	s28 =	spop (v2sf);
	(v2sf) =	vpush v2, $0x6  }
0x10b: {  	[tilespmem:s20], [sflag:$0x1] =	stream.linear.gather [hbm4b:s1+s10], $0x80, $0x38;
	[tilespmem:$0x10600] =	vst v63  }
0x10c: {  	s1 =	sand.u32 $0x1FFFFFF0, s21  }
0x10d: {  	s22 =	sadd.s32 $0x8500, s0;
	s1 =	sadd.s32 s4, s1  }
0x10e: {  	[tilespmem:s22], [sflag:$0x1] =	stream.linear.gather [hbm4b:s1+s10], $0x80, $0x38;
	[tilespmem:$0x10600] =	vst v63  }
0x10f: {  	s1 =	sand.u32 $0x1FFFFFF0, s23  }
0x110: {  	s24 =	sadd.s32 $0x580, s0;
	s1 =	sadd.s32 s11, s1;
	s30 =	spop (v2sf);
	(v2sf) =	vpush v1, $0x6  }
0x111: {  	[tilespmem:s24], [sflag:$0x1] =	stream.linear.gather [hbm4b:s1+s10], $0x80, $0x38;
	[tilespmem:$0x10600] =	vst v63  }
0x112: {  	s2 =	spop (v2sf);
	(v2sf) =	vpush v2, $0x7  }
0x113: {  	s1 =	sand.u32 $0x1FFFFFF0, s25  }
0x114: {  	s26 =	sadd.s32 $0x8580, s0;
	s1 =	sadd.s32 s4, s1;
	s5 =	spop (v2sf);
	(v2sf) =	vpush v1, $0x7  }
0x115: {  	[tilespmem:s26], [sflag:$0x1] =	stream.linear.gather [hbm4b:s1+s10], $0x80, $0x38;
	[tilespmem:$0x10600] =	vst v63  }
0x116: {  	s1 =	sand.u32 $0x1FFFFFF0, s28  }
0x117: {  	s29 =	sadd.s32 $0x600, s0;
	s1 =	sadd.s32 s11, s1  }
0x118: {  	[tilespmem:s29], [sflag:$0x1] =	stream.linear.gather [hbm4b:s1+s10], $0x80, $0x38;
	[tilespmem:$0x10600] =	vst v63  }
0x119: {  	s1 =	sand.u32 $0x1FFFFFF0, s30;
	s7 =	spop (v2sf);
	(v2sf) =	vpush v2, $0x8  }
0x11a: {  	s31 =	sadd.s32 $0x8600, s0;
	s1 =	sadd.s32 s4, s1  }
0x11b: {  	[tilespmem:s31], [sflag:$0x1] =	stream.linear.gather [hbm4b:s1+s10], $0x80, $0x38;
	[tilespmem:$0x10600] =	vst v63  }
0x11c: {  	s1 =	sand.u32 $0x1FFFFFF0, s2  }
0x11d: {  	s3 =	sadd.s32 $0x680, s0;
	s1 =	sadd.s32 s11, s1  }
0x11e: {  	[tilespmem:s3], [sflag:$0x1] =	stream.linear.gather [hbm4b:s1+s10], $0x80, $0x38;
	[tilespmem:$0x10600] =	vst v63  }
0x11f: {  	s15 =	spop (v2sf);
	(v2sf) =	vpush v1, $0x8  }
0x120: {  	s1 =	sand.u32 $0x1FFFFFF0, s5  }
0x121: {  	s6 =	sadd.s32 $0x8680, s0;
	s1 =	sadd.s32 s4, s1;
	s17 =	spop (v2sf);
	(v2sf) =	vpush v2, $0x9  }
0x122: {  	[tilespmem:s6], [sflag:$0x1] =	stream.linear.gather [hbm4b:s1+s10], $0x80, $0x38;
	[tilespmem:$0x10600] =	vst v63  }
0x123: {  	s19 =	spop (v2sf);
	(v2sf) =	vpush v1, $0x9  }
0x124: {  	s1 =	sand.u32 $0x1FFFFFF0, s7  }
0x125: {  	s14 =	sadd.s32 $0x700, s0;
	s1 =	sadd.s32 s11, s1  }
0x126: {  	[tilespmem:s14], [sflag:$0x1] =	stream.linear.gather [hbm4b:s1+s10], $0x80, $0x38;
	[tilespmem:$0x10600] =	vst v63  }
0x127: {  	s1 =	sand.u32 $0x1FFFFFF0, s15  }
0x128: {  	s16 =	sadd.s32 $0x8700, s0;
	s1 =	sadd.s32 s4, s1;
	s21 =	spop (v2sf);
	(v2sf) =	vpush v2, $0xA  }
0x129: {  	[tilespmem:s16], [sflag:$0x1] =	stream.linear.gather [hbm4b:s1+s10], $0x80, $0x38;
	[tilespmem:$0x10600] =	vst v63  }
0x12a: {  	s1 =	sand.u32 $0x1FFFFFF0, s17  }
0x12b: {  	s18 =	sadd.s32 $0x780, s0;
	s1 =	sadd.s32 s11, s1  }
0x12c: {  	[tilespmem:s18], [sflag:$0x1] =	stream.linear.gather [hbm4b:s1+s10], $0x80, $0x38;
	[tilespmem:$0x10600] =	vst v63  }
0x12d: {  	s1 =	sand.u32 $0x1FFFFFF0, s19  }
0x12e: {  	s20 =	sadd.s32 $0x8780, s0;
	s1 =	sadd.s32 s4, s1;
	s23 =	spop (v2sf);
	(v2sf) =	vpush v1, $0xA  }
0x12f: {  	[tilespmem:s20], [sflag:$0x1] =	stream.linear.gather [hbm4b:s1+s10], $0x80, $0x38;
	[tilespmem:$0x10600] =	vst v63  }
0x130: {  	s25 =	spop (v2sf);
	(v2sf) =	vpush v2, $0xB  }
0x131: {  	s1 =	sand.u32 $0x1FFFFFF0, s21  }
0x132: {  	s22 =	sadd.s32 $0x800, s0;
	s1 =	sadd.s32 s11, s1;
	s28 =	spop (v2sf);
	(v2sf) =	vpush v1, $0xB  }
0x133: {  	[tilespmem:s22], [sflag:$0x1] =	stream.linear.gather [hbm4b:s1+s10], $0x80, $0x38;
	[tilespmem:$0x10600] =	vst v63  }
0x134: {  	s1 =	sand.u32 $0x1FFFFFF0, s23  }
0x135: {  	s24 =	sadd.s32 $0x8800, s0;
	s1 =	sadd.s32 s4, s1  }
0x136: {  	[tilespmem:s24], [sflag:$0x1] =	stream.linear.gather [hbm4b:s1+s10], $0x80, $0x38;
	[tilespmem:$0x10600] =	vst v63  }
0x137: {  	s1 =	sand.u32 $0x1FFFFFF0, s25;
	s30 =	spop (v2sf);
	(v2sf) =	vpush v2, $0xC  }
0x138: {  	s26 =	sadd.s32 $0x880, s0;
	s1 =	sadd.s32 s11, s1  }
0x139: {  	[tilespmem:s26], [sflag:$0x1] =	stream.linear.gather [hbm4b:s1+s10], $0x80, $0x38;
	[tilespmem:$0x10600] =	vst v63  }
0x13a: {  	s1 =	sand.u32 $0x1FFFFFF0, s28  }
0x13b: {  	s29 =	sadd.s32 $0x8880, s0;
	s1 =	sadd.s32 s4, s1  }
0x13c: {  	[tilespmem:s29], [sflag:$0x1] =	stream.linear.gather [hbm4b:s1+s10], $0x80, $0x38;
	[tilespmem:$0x10600] =	vst v63  }
0x13d: {  	s3 =	spop (v2sf);
	(v2sf) =	vpush v1, $0xC  }
0x13e: {  	s1 =	sand.u32 $0x1FFFFFF0, s30  }
0x13f: {  	s31 =	sadd.s32 $0x900, s0;
	s1 =	sadd.s32 s11, s1;
	s6 =	spop (v2sf);
	(v2sf) =	vpush v2, $0xD  }
0x140: {  	[tilespmem:s31], [sflag:$0x1] =	stream.linear.gather [hbm4b:s1+s10], $0x80, $0x38;
	[tilespmem:$0x10600] =	vst v63  }
0x141: {  	s14 =	spop (v2sf);
	(v2sf) =	vpush v1, $0xD  }
0x142: {  	s1 =	sand.u32 $0x1FFFFFF0, s3  }
0x143: {  	s5 =	sadd.s32 $0x8900, s0;
	s1 =	sadd.s32 s4, s1  }
0x144: {  	[tilespmem:s5], [sflag:$0x1] =	stream.linear.gather [hbm4b:s1+s10], $0x80, $0x38;
	[tilespmem:$0x10600] =	vst v63  }
0x145: {  	s1 =	sand.u32 $0x1FFFFFF0, s6  }
0x146: {  	s7 =	sadd.s32 $0x980, s0;
	s16 =	spop (v2sf);
	s1 =	sadd.s32 s11, s1  }
0x147: {  	(v2sf) =	vpush v2, $0xE;
	[tilespmem:s7], [sflag:$0x1] =	stream.linear.gather [hbm4b:s1+s10], $0x80, $0x38;
	[tilespmem:$0x10600] =	vst v63  }
0x148: {  	s1 =	sand.u32 $0x1FFFFFF0, s14  }
0x149: {  	s15 =	sadd.s32 $0x8980, s0;
	s1 =	sadd.s32 s4, s1  }
0x14a: {  	[tilespmem:s15], [sflag:$0x1] =	stream.linear.gather [hbm4b:s1+s10], $0x80, $0x38;
	[tilespmem:$0x10600] =	vst v63  }
0x14b: {  	s1 =	sand.u32 $0x1FFFFFF0, s16  }
0x14c: {  	s17 =	sadd.s32 $0xA00, s0;
	s1 =	sadd.s32 s11, s1;
	s18 =	spop (v2sf);
	(v2sf) =	vpush v1, $0xE  }
0x14d: {  	[tilespmem:s17], [sflag:$0x1] =	stream.linear.gather [hbm4b:s1+s10], $0x80, $0x38;
	[tilespmem:$0x10600] =	vst v63  }
0x14e: {  	s20 =	spop (v2sf);
	(v2sf) =	vpush v2, $0xF  }
0x14f: {  	s1 =	sand.u32 $0x1FFFFFF0, s18  }
0x150: {  	s19 =	sadd.s32 $0x8A00, s0;
	s1 =	sadd.s32 s4, s1;
	s22 =	spop (v2sf)  }
0x151: {  	(v2sf) =	vpush v1, $0xF;
	[tilespmem:s19], [sflag:$0x1] =	stream.linear.gather [hbm4b:s1+s10], $0x80, $0x38;
	[tilespmem:$0x10600] =	vst v63  }
0x152: {  	s1 =	sand.u32 $0x1FFFFFF0, s20  }
0x153: {  	s21 =	sadd.s32 $0xA80, s0;
	s1 =	sadd.s32 s11, s1  }
0x154: {  	[tilespmem:s21], [sflag:$0x1] =	stream.linear.gather [hbm4b:s1+s10], $0x80, $0x38;
	[tilespmem:$0x10600] =	vst v63  }
0x155: {  	s1 =	sand.u32 $0x1FFFFFF0, s22  }
0x156: {  	s23 =	sadd.s32 $0x8A80, s0;
	s24 =	spop (v2sf);
	s1 =	sadd.s32 s4, s1  }
0x157: {  	[tilespmem:s23], [sflag:$0x1] =	stream.linear.gather [hbm4b:s1+s10], $0x80, $0x38;
	[tilespmem:$0x10600] =	vst v63  }
0x158: {  	s1 =	sand.u32 $0x1FFFFFF0, s24  }
0x159: {  	s25 =	sadd.s32 $0xB00, s0;
	s1 =	sadd.s32 s11, s1  }
0x15a: {  	[tilespmem:s25], [sflag:$0x1] =	stream.linear.gather [hbm4b:s1+s10], $0x80, $0x38;
	[tilespmem:$0x10600] =	vst v63  }
0x15b: {  	s26 =	spop (v2sf)  }
0x15c: {  	s1 =	sand.u32 $0x1FFFFFF0, s26  }
0x15d: {  	s28 =	sadd.s32 $0x8B00, s0;
	s29 =	spop (v2sf);
	s1 =	sadd.s32 s4, s1  }
0x15e: {  	[tilespmem:s28], [sflag:$0x1] =	stream.linear.gather [hbm4b:s1+s10], $0x80, $0x38;
	[tilespmem:$0x10600] =	vst v63  }
0x15f: {  	s1 =	sand.u32 $0x1FFFFFF0, s29  }
0x160: {  	s30 =	sadd.s32 $0xB80, s0;
	s31 =	spop (v2sf);
	s1 =	sadd.s32 s11, s1  }
0x161: {  	[tilespmem:s30], [sflag:$0x1] =	stream.linear.gather [hbm4b:s1+s10], $0x80, $0x38;
	[tilespmem:$0x10600] =	vst v63  }
0x162: {  	s1 =	sand.u32 $0x1FFFFFF0, s31  }
0x163: {  	s0 =	sadd.s32 $0x8B80, s0;
	s1 =	sadd.s32 s4, s1  }
0x164: {  	[tilespmem:s0], [sflag:$0x1] =	stream.linear.gather [hbm4b:s1+s10], $0x80, $0x38;
	[tilespmem:$0x10600] =	vst v63  }
0x165: {  	_ =	swait.ge [sflag:s8], $0x80  }
0x166: {  	[sflag:s8] =	ssyncset.done $0x0  }
0x167: {  	[sflag:s8] =	ssyncadd.s32 $0xFFFFFF80  }
0x168: {  	_ =	swait.ge [sflag:s8], $0x80  }
0x169: {  	s0 =	simm.s32 $0xFF;
	[sflag:s8] =	ssyncset.done $0x0  }
.LBB2_9:
0x16a: {  	p1 =	seq.s32 s0, $0x1;
	s0 =	sadd.s32 $0xFFFFFFFF, s0;
	[sflag:s8] =	ssyncadd.s32 $0xFFFFFF80  }
.Ltmp5:
0x16b: {  	_ =	swait.ge [sflag:s8], $0x80;
	(pc) =	sbr.rel @!p1 .LBB2_9-.Ltmp5, $4  }
0x16c: {  	[sflag:s8] =	ssyncset.done $0x0  }
0x16d: {  	[sflag:s8] =	ssyncadd.s32 $0xFFFFFF80  }
0x16e: {  	_ =	swait.ge [sflag:s8], $0x80  }
0x16f: {  	[sflag:s8] =	ssyncset.done $0x0  }
0x170: {  	s16 =	simm.s32 $0x0  }
0x171: {  	v1 =	vmov s16  }
0x172: {  	v1 =	vshll.u32 v1, $0x7  }
0x173: {  	v1 =	vor.u32 v0, v1;
	_ =	sdelay $0x1  }
0x174: {  	v2 =	vor.u32 $0x1, v1;
	_ =	sdelay $0x1  }
0x175: {  	[sflag:s8] =	ssyncadd.s32 $0xFFFFFF80;
	v3 =	vor.u32 $0x2, v1  }
0x176: {  	v4 =	vld.idx.msk [tilespmem:v1+s12+$0x0], $0xffff  }
0x177: {  	v6 =	vor.u32 $0x3, v1;
	v5 =	vld.idx.msk [tilespmem:v1+s9+$0x0], $0xffff  }
0x178: {  	v7 =	vld.idx.msk [tilespmem:v2+s9+$0x0], $0xffff  }
0x179: {  	v8 =	vor.u32 $0x4, v1;
	v2 =	vld.idx.msk [tilespmem:v2+s12+$0x0], $0xffff  }
0x17a: {  	v9 =	vld.idx.msk [tilespmem:v3+s9+$0x0], $0xffff  }
0x17b: {  	v10 =	vor.u32 $0x5, v1;
	v3 =	vld.idx.msk [tilespmem:v3+s12+$0x0], $0xffff  }
0x17c: {  	v11 =	vld.idx.msk [tilespmem:v6+s9+$0x0], $0xffff;
	v4 =	vmul.f32 v4, v5  }
0x17d: {  	v34 =	vor.u32 $0x6, v1;
	v33 =	vld.idx.msk [tilespmem:v6+s12+$0x0], $0xffff  }
0x17e: {  	v12 =	vld.idx.msk [tilespmem:v8+s9+$0x0], $0xffff;
	v2 =	vmul.f32 v2, v7;
	v4 =	vadd.f32 $0.0e+00, v4  }
0x17f: {  	v36 =	vor.u32 $0x7, v1;
	v35 =	vld.idx.msk [tilespmem:v8+s12+$0x0], $0xffff  }
0x180: {  	v13 =	vld.idx.msk [tilespmem:v10+s9+$0x0], $0xffff;
	v3 =	vmul.f32 v3, v9;
	v2 =	vadd.f32 v2, v4  }
0x181: {  	v38 =	vor.u32 $0x8, v1;
	v37 =	vld.idx.msk [tilespmem:v10+s12+$0x0], $0xffff  }
0x182: {  	v39 =	vld.idx.msk [tilespmem:v34+s9+$0x0], $0xffff;
	v2 =	vadd.f32 v3, v2;
	v3 =	vmul.f32 v33, v11  }
0x183: {  	v41 =	vor.u32 $0x9, v1;
	v40 =	vld.idx.msk [tilespmem:v34+s12+$0x0], $0xffff  }
0x184: {  	v42 =	vld.idx.msk [tilespmem:v36+s9+$0x0], $0xffff;
	v2 =	vadd.f32 v3, v2;
	v3 =	vmul.f32 v35, v12  }
0x185: {  	v44 =	vor.u32 $0xA, v1;
	v43 =	vld.idx.msk [tilespmem:v36+s12+$0x0], $0xffff  }
0x186: {  	v45 =	vld.idx.msk [tilespmem:v38+s9+$0x0], $0xffff;
	v2 =	vadd.f32 v3, v2;
	v3 =	vmul.f32 v37, v13  }
0x187: {  	v47 =	vor.u32 $0xB, v1;
	v46 =	vld.idx.msk [tilespmem:v38+s12+$0x0], $0xffff  }
0x188: {  	v48 =	vld.idx.msk [tilespmem:v41+s9+$0x0], $0xffff;
	v2 =	vadd.f32 v3, v2;
	v3 =	vmul.f32 v40, v39  }
0x189: {  	v50 =	vor.u32 $0xC, v1;
	v49 =	vld.idx.msk [tilespmem:v41+s12+$0x0], $0xffff  }
0x18a: {  	v51 =	vld.idx.msk [tilespmem:v44+s9+$0x0], $0xffff;
	v2 =	vadd.f32 v3, v2;
	v3 =	vmul.f32 v43, v42  }
0x18b: {  	v53 =	vor.u32 $0xD, v1;
	v52 =	vld.idx.msk [tilespmem:v44+s12+$0x0], $0xffff  }
0x18c: {  	v54 =	vld.idx.msk [tilespmem:v47+s9+$0x0], $0xffff;
	v2 =	vadd.f32 v3, v2;
	v3 =	vmul.f32 v46, v45  }
0x18d: {  	v56 =	vor.u32 $0xE, v1;
	v55 =	vld.idx.msk [tilespmem:v47+s12+$0x0], $0xffff  }
0x18e: {  	v57 =	vld.idx.msk [tilespmem:v50+s9+$0x0], $0xffff;
	v2 =	vadd.f32 v3, v2;
	v3 =	vmul.f32 v49, v48  }
0x18f: {  	v59 =	vor.u32 $0xF, v1;
	v58 =	vld.idx.msk [tilespmem:v50+s12+$0x0], $0xffff  }
0x190: {  	v60 =	vld.idx.msk [tilespmem:v53+s9+$0x0], $0xffff;
	v2 =	vadd.f32 v3, v2;
	v3 =	vmul.f32 v52, v51  }
0x191: {  	v62 =	vor.u32 $0x10, v1;
	v61 =	vld.idx.msk [tilespmem:v53+s12+$0x0], $0xffff  }
0x192: {  	v63 =	vld.idx.msk [tilespmem:v56+s9+$0x0], $0xffff;
	v2 =	vadd.f32 v3, v2;
	v3 =	vmul.f32 v55, v54  }
0x193: {  	v17 =	vor.u32 $0x11, v1;
	v16 =	vld.idx.msk [tilespmem:v56+s12+$0x0], $0xffff  }
0x194: {  	v18 =	vld.idx.msk [tilespmem:v59+s9+$0x0], $0xffff;
	v2 =	vadd.f32 v3, v2;
	v3 =	vmul.f32 v58, v57  }
0x195: {  	v20 =	vor.u32 $0x12, v1;
	v19 =	vld.idx.msk [tilespmem:v59+s12+$0x0], $0xffff  }
0x196: {  	v21 =	vld.idx.msk [tilespmem:v62+s9+$0x0], $0xffff;
	v2 =	vadd.f32 v3, v2;
	v3 =	vmul.f32 v61, v60  }
0x197: {  	v23 =	vor.u32 $0x13, v1;
	v22 =	vld.idx.msk [tilespmem:v62+s12+$0x0], $0xffff  }
0x198: {  	v24 =	vld.idx.msk [tilespmem:v17+s9+$0x0], $0xffff;
	v2 =	vadd.f32 v3, v2;
	v3 =	vmul.f32 v16, v63  }
0x199: {  	v26 =	vor.u32 $0x14, v1;
	v25 =	vld.idx.msk [tilespmem:v17+s12+$0x0], $0xffff  }
0x19a: {  	v27 =	vld.idx.msk [tilespmem:v20+s9+$0x0], $0xffff;
	v2 =	vadd.f32 v3, v2;
	v3 =	vmul.f32 v19, v18  }
0x19b: {  	v29 =	vor.u32 $0x15, v1;
	v28 =	vld.idx.msk [tilespmem:v20+s12+$0x0], $0xffff  }
0x19c: {  	v30 =	vld.idx.msk [tilespmem:v23+s9+$0x0], $0xffff;
	v2 =	vadd.f32 v3, v2;
	v3 =	vmul.f32 v22, v21  }
0x19d: {  	v32 =	vor.u32 $0x16, v1;
	v31 =	vld.idx.msk [tilespmem:v23+s12+$0x0], $0xffff  }
0x19e: {  	v34 =	vld.idx.msk [tilespmem:v26+s12+$0x0], $0xffff;
	v2 =	vadd.f32 v3, v2;
	v3 =	vmul.f32 v25, v24  }
0x19f: {  	v33 =	vld.idx.msk [tilespmem:v26+s9+$0x0], $0xffff;
	v35 =	vor.u32 $0x17, v1  }
0x1a0: {  	v36 =	vld.idx.msk [tilespmem:v29+s9+$0x0], $0xffff;
	v2 =	vadd.f32 v3, v2;
	v3 =	vmul.f32 v28, v27  }
0x1a1: {  	v38 =	vor.u32 $0x18, v1;
	v37 =	vld.idx.msk [tilespmem:v29+s12+$0x0], $0xffff  }
0x1a2: {  	v39 =	vld.idx.msk [tilespmem:v32+s9+$0x0], $0xffff;
	v2 =	vadd.f32 v3, v2;
	v3 =	vmul.f32 v31, v30  }
0x1a3: {  	v41 =	vor.u32 $0x19, v1;
	v40 =	vld.idx.msk [tilespmem:v32+s12+$0x0], $0xffff  }
0x1a4: {  	v42 =	vld.idx.msk [tilespmem:v35+s9+$0x0], $0xffff;
	v2 =	vadd.f32 v3, v2;
	v3 =	vmul.f32 v34, v33  }
0x1a5: {  	v44 =	vor.u32 $0x1A, v1;
	v43 =	vld.idx.msk [tilespmem:v35+s12+$0x0], $0xffff  }
0x1a6: {  	v45 =	vld.idx.msk [tilespmem:v38+s9+$0x0], $0xffff;
	v2 =	vadd.f32 v3, v2;
	v3 =	vmul.f32 v37, v36  }
0x1a7: {  	v47 =	vor.u32 $0x1B, v1;
	v46 =	vld.idx.msk [tilespmem:v38+s12+$0x0], $0xffff  }
0x1a8: {  	v48 =	vld.idx.msk [tilespmem:v41+s9+$0x0], $0xffff;
	v2 =	vadd.f32 v3, v2;
	v3 =	vmul.f32 v40, v39  }
0x1a9: {  	v50 =	vor.u32 $0x1C, v1;
	v49 =	vld.idx.msk [tilespmem:v41+s12+$0x0], $0xffff  }
0x1aa: {  	v51 =	vld.idx.msk [tilespmem:v44+s9+$0x0], $0xffff;
	v2 =	vadd.f32 v3, v2;
	v3 =	vmul.f32 v43, v42  }
0x1ab: {  	v53 =	vor.u32 $0x1D, v1;
	v52 =	vld.idx.msk [tilespmem:v44+s12+$0x0], $0xffff  }
0x1ac: {  	v54 =	vld.idx.msk [tilespmem:v47+s9+$0x0], $0xffff;
	v2 =	vadd.f32 v3, v2;
	v3 =	vmul.f32 v46, v45  }
0x1ad: {  	v56 =	vor.u32 $0x1E, v1;
	v55 =	vld.idx.msk [tilespmem:v47+s12+$0x0], $0xffff  }
0x1ae: {  	v57 =	vld.idx.msk [tilespmem:v50+s9+$0x0], $0xffff;
	v2 =	vadd.f32 v3, v2;
	v3 =	vmul.f32 v49, v48  }
0x1af: {  	v1 =	vor.u32 $0x1F, v1;
	v58 =	vld.idx.msk [tilespmem:v50+s12+$0x0], $0xffff  }
0x1b0: {  	v59 =	vld.idx.msk [tilespmem:v53+s9+$0x0], $0xffff;
	v2 =	vadd.f32 v3, v2;
	v3 =	vmul.f32 v52, v51  }
0x1b1: {  	v60 =	vld.idx.msk [tilespmem:v53+s12+$0x0], $0xffff  }
0x1b2: {  	v62 =	vld.idx.msk [tilespmem:v56+s12+$0x0], $0xffff;
	v2 =	vadd.f32 v3, v2;
	v3 =	vmul.f32 v55, v54  }
0x1b3: {  	v61 =	vld.idx.msk [tilespmem:v56+s9+$0x0], $0xffff  }
0x1b4: {  	v63 =	vld.idx.msk [tilespmem:v1+s9+$0x0], $0xffff;
	v2 =	vadd.f32 v3, v2;
	v3 =	vmul.f32 v58, v57  }
0x1b5: {  	v1 =	vld.idx.msk [tilespmem:v1+s12+$0x0], $0xffff  }
0x1b6: {  	v2 =	vadd.f32 v3, v2;
	v3 =	vmul.f32 v60, v59;
	_ =	sdelay $0x1  }
0x1b7: {  	v2 =	vadd.f32 v3, v2;
	v3 =	vmul.f32 v62, v61;
	_ =	sdelay $0x1  }
0x1b8: {  	v1 =	vmul.f32 v1, v63;
	v2 =	vadd.f32 v3, v2;
	_ =	sdelay $0x1  }
0x1b9: {  	v1 =	vadd.f32 v1, v2;
	_ =	sdelay $0x1  }
0x1ba: {  	v1 =	vsub.f32 $0.0e+00, v1;
	_ =	sdelay $0x1  }
0x1bb: {  	v1 =	vmul.f32 $1.442695020e+00, v1;
	_ =	sdelay $0x1  }
0x1bc: {  	(erf) = vpow2.f32 v1;
	_ =	sdelay $0x8  }
0x1bd: {  	v1 =	vpop (erf)  }
0x1be: {  	v1 =	vadd.f32 $1.000000000e+00, v1;
	_ =	sdelay $0x1  }
0x1bf: {  	(erf) = vrcp.f32 v1;
	_ =	sdelay $0x2  }
0x1c0: {  	s0 =	sshll.u32 s13, $0x8;
	s17 =	simm.s32 $0x10  }
0x1c1: {  	s0 =	sand.u32 $0x3FFFFF00, s0;
	v2 =	vmov s17  }
0x1c2: {  	s18 =	simm.s32 $0x20;
	s15 =	sadd.s32 $0x10400, s0;
	v1 =	vshll.u32 v2, $0x7  }
.LBB2_11:
0x1c3: {  	p1 =	sne.s32 s18, $0xF0;
	v1 =	vor.u32 v0, v1  }
0x1c4: {  	s0 =	sand.u32 $0x80, s16  }
0x1c5: {  	s1 =	sand.u32 $0x70, s16;
	s16 =	smov.u32 s17;
	v2 =	vor.u32 $0x1, v1;
	s0 =	sadd.s32 s0, s15  }
0x1c6: {  	s17 =	smov.u32 s18;
	s0 =	sadd.s32 s1, s0;
	v3 =	vpop (erf)  }
0x1c7: {  	v4 =	vor.u32 $0x2, v1;
	[tilespmem:s0+$0x0] =	vst v3  }
0x1c8: {  	v3 =	vld.idx.msk [tilespmem:v1+s12+$0x0], $0xffff  }
0x1c9: {  	v6 =	vor.u32 $0x3, v1;
	v5 =	vld.idx.msk [tilespmem:v1+s9+$0x0], $0xffff  }
0x1ca: {  	v7 =	vld.idx.msk [tilespmem:v2+s9+$0x0], $0xffff  }
0x1cb: {  	v8 =	vor.u32 $0x4, v1;
	v2 =	vld.idx.msk [tilespmem:v2+s12+$0x0], $0xffff  }
0x1cc: {  	v9 =	vld.idx.msk [tilespmem:v4+s9+$0x0], $0xffff  }
0x1cd: {  	v10 =	vor.u32 $0x5, v1;
	v4 =	vld.idx.msk [tilespmem:v4+s12+$0x0], $0xffff  }
0x1ce: {  	v11 =	vld.idx.msk [tilespmem:v6+s9+$0x0], $0xffff  }
0x1cf: {  	v3 =	vmul.f32 v3, v5;
	v5 =	vld.idx.msk [tilespmem:v6+s12+$0x0], $0xffff;
	v6 =	vor.u32 $0x6, v1  }
0x1d0: {  	v12 =	vld.idx.msk [tilespmem:v8+s9+$0x0], $0xffff  }
0x1d1: {  	v3 =	vadd.f32 $0.0e+00, v3;
	v2 =	vmul.f32 v2, v7;
	v7 =	vld.idx.msk [tilespmem:v8+s12+$0x0], $0xffff;
	v8 =	vor.u32 $0x7, v1  }
0x1d2: {  	v13 =	vld.idx.msk [tilespmem:v10+s9+$0x0], $0xffff  }
0x1d3: {  	v2 =	vadd.f32 v2, v3;
	v3 =	vmul.f32 v4, v9;
	v9 =	vor.u32 $0x8, v1;
	v4 =	vld.idx.msk [tilespmem:v10+s12+$0x0], $0xffff  }
0x1d4: {  	v10 =	vld.idx.msk [tilespmem:v6+s9+$0x0], $0xffff  }
0x1d5: {  	v2 =	vadd.f32 v3, v2;
	v3 =	vmul.f32 v5, v11;
	v5 =	vld.idx.msk [tilespmem:v6+s12+$0x0], $0xffff;
	v6 =	vor.u32 $0x9, v1  }
0x1d6: {  	v11 =	vld.idx.msk [tilespmem:v8+s9+$0x0], $0xffff  }
0x1d7: {  	v2 =	vadd.f32 v3, v2;
	v3 =	vmul.f32 v7, v12;
	v7 =	vld.idx.msk [tilespmem:v8+s12+$0x0], $0xffff;
	v8 =	vor.u32 $0xA, v1  }
0x1d8: {  	v12 =	vld.idx.msk [tilespmem:v9+s9+$0x0], $0xffff  }
0x1d9: {  	v2 =	vadd.f32 v3, v2;
	v3 =	vmul.f32 v4, v13;
	v4 =	vld.idx.msk [tilespmem:v9+s12+$0x0], $0xffff;
	v9 =	vor.u32 $0xB, v1  }
0x1da: {  	v13 =	vld.idx.msk [tilespmem:v6+s9+$0x0], $0xffff  }
0x1db: {  	v2 =	vadd.f32 v3, v2;
	v3 =	vmul.f32 v5, v10;
	v5 =	vld.idx.msk [tilespmem:v6+s12+$0x0], $0xffff;
	v6 =	vor.u32 $0xC, v1  }
0x1dc: {  	v10 =	vld.idx.msk [tilespmem:v8+s9+$0x0], $0xffff  }
0x1dd: {  	v2 =	vadd.f32 v3, v2;
	v3 =	vmul.f32 v7, v11;
	v7 =	vld.idx.msk [tilespmem:v8+s12+$0x0], $0xffff;
	v8 =	vor.u32 $0xD, v1  }
0x1de: {  	v11 =	vld.idx.msk [tilespmem:v9+s9+$0x0], $0xffff  }
0x1df: {  	v2 =	vadd.f32 v3, v2;
	v3 =	vmul.f32 v4, v12;
	v4 =	vld.idx.msk [tilespmem:v9+s12+$0x0], $0xffff;
	v9 =	vor.u32 $0xE, v1  }
0x1e0: {  	v12 =	vld.idx.msk [tilespmem:v6+s9+$0x0], $0xffff  }
0x1e1: {  	v2 =	vadd.f32 v3, v2;
	v3 =	vmul.f32 v5, v13;
	v5 =	vld.idx.msk [tilespmem:v6+s12+$0x0], $0xffff;
	v6 =	vor.u32 $0xF, v1  }
0x1e2: {  	v13 =	vld.idx.msk [tilespmem:v8+s9+$0x0], $0xffff  }
0x1e3: {  	v2 =	vadd.f32 v3, v2;
	v3 =	vmul.f32 v7, v10;
	v7 =	vld.idx.msk [tilespmem:v8+s12+$0x0], $0xffff;
	v8 =	vor.u32 $0x10, v1  }
0x1e4: {  	v10 =	vld.idx.msk [tilespmem:v9+s9+$0x0], $0xffff  }
0x1e5: {  	v2 =	vadd.f32 v3, v2;
	v3 =	vmul.f32 v4, v11;
	v4 =	vld.idx.msk [tilespmem:v9+s12+$0x0], $0xffff;
	v9 =	vor.u32 $0x11, v1  }
0x1e6: {  	v11 =	vld.idx.msk [tilespmem:v6+s9+$0x0], $0xffff  }
0x1e7: {  	v2 =	vadd.f32 v3, v2;
	v3 =	vmul.f32 v5, v12;
	v5 =	vld.idx.msk [tilespmem:v6+s12+$0x0], $0xffff;
	v6 =	vor.u32 $0x12, v1  }
0x1e8: {  	v12 =	vld.idx.msk [tilespmem:v8+s9+$0x0], $0xffff  }
0x1e9: {  	v2 =	vadd.f32 v3, v2;
	v3 =	vmul.f32 v7, v13;
	v7 =	vld.idx.msk [tilespmem:v8+s12+$0x0], $0xffff;
	v8 =	vor.u32 $0x13, v1  }
0x1ea: {  	v13 =	vld.idx.msk [tilespmem:v9+s9+$0x0], $0xffff  }
0x1eb: {  	v2 =	vadd.f32 v3, v2;
	v3 =	vmul.f32 v4, v10;
	v4 =	vld.idx.msk [tilespmem:v9+s12+$0x0], $0xffff;
	v9 =	vor.u32 $0x14, v1  }
0x1ec: {  	v10 =	vld.idx.msk [tilespmem:v6+s9+$0x0], $0xffff  }
0x1ed: {  	v2 =	vadd.f32 v3, v2;
	v3 =	vmul.f32 v5, v11;
	v5 =	vld.idx.msk [tilespmem:v6+s12+$0x0], $0xffff;
	v6 =	vor.u32 $0x15, v1  }
0x1ee: {  	v11 =	vld.idx.msk [tilespmem:v8+s9+$0x0], $0xffff  }
0x1ef: {  	v2 =	vadd.f32 v3, v2;
	v3 =	vmul.f32 v7, v12;
	v7 =	vld.idx.msk [tilespmem:v8+s12+$0x0], $0xffff;
	v8 =	vor.u32 $0x16, v1  }
0x1f0: {  	v12 =	vld.idx.msk [tilespmem:v9+s9+$0x0], $0xffff  }
0x1f1: {  	v2 =	vadd.f32 v3, v2;
	v3 =	vmul.f32 v4, v13;
	v4 =	vld.idx.msk [tilespmem:v9+s12+$0x0], $0xffff;
	v9 =	vor.u32 $0x17, v1  }
0x1f2: {  	v13 =	vld.idx.msk [tilespmem:v6+s9+$0x0], $0xffff  }
0x1f3: {  	v2 =	vadd.f32 v3, v2;
	v3 =	vmul.f32 v5, v10;
	v5 =	vld.idx.msk [tilespmem:v6+s12+$0x0], $0xffff;
	v6 =	vor.u32 $0x18, v1  }
0x1f4: {  	v10 =	vld.idx.msk [tilespmem:v8+s9+$0x0], $0xffff  }
0x1f5: {  	v2 =	vadd.f32 v3, v2;
	v3 =	vmul.f32 v7, v11;
	v7 =	vld.idx.msk [tilespmem:v8+s12+$0x0], $0xffff;
	v8 =	vor.u32 $0x19, v1  }
0x1f6: {  	v11 =	vld.idx.msk [tilespmem:v9+s9+$0x0], $0xffff  }
0x1f7: {  	v2 =	vadd.f32 v3, v2;
	v3 =	vmul.f32 v4, v12;
	v4 =	vld.idx.msk [tilespmem:v9+s12+$0x0], $0xffff;
	v9 =	vor.u32 $0x1A, v1  }
0x1f8: {  	v12 =	vld.idx.msk [tilespmem:v6+s9+$0x0], $0xffff  }
0x1f9: {  	v2 =	vadd.f32 v3, v2;
	v3 =	vmul.f32 v5, v13;
	v5 =	vld.idx.msk [tilespmem:v6+s12+$0x0], $0xffff;
	v6 =	vor.u32 $0x1B, v1  }
0x1fa: {  	v13 =	vld.idx.msk [tilespmem:v8+s9+$0x0], $0xffff  }
0x1fb: {  	v2 =	vadd.f32 v3, v2;
	v3 =	vmul.f32 v7, v10;
	v7 =	vld.idx.msk [tilespmem:v8+s12+$0x0], $0xffff;
	v8 =	vor.u32 $0x1C, v1  }
0x1fc: {  	v10 =	vld.idx.msk [tilespmem:v9+s9+$0x0], $0xffff  }
0x1fd: {  	v2 =	vadd.f32 v3, v2;
	v3 =	vmul.f32 v4, v11;
	v4 =	vld.idx.msk [tilespmem:v9+s12+$0x0], $0xffff;
	v9 =	vor.u32 $0x1D, v1  }
0x1fe: {  	v11 =	vld.idx.msk [tilespmem:v6+s9+$0x0], $0xffff  }
0x1ff: {  	v2 =	vadd.f32 v3, v2;
	v3 =	vmul.f32 v5, v12;
	v5 =	vld.idx.msk [tilespmem:v6+s12+$0x0], $0xffff;
	v6 =	vor.u32 $0x1E, v1  }
0x200: {  	v12 =	vld.idx.msk [tilespmem:v8+s9+$0x0], $0xffff  }
0x201: {  	v1 =	vor.u32 $0x1F, v1;
	v2 =	vadd.f32 v3, v2;
	v3 =	vmul.f32 v7, v13;
	v7 =	vld.idx.msk [tilespmem:v8+s12+$0x0], $0xffff  }
0x202: {  	v8 =	vld.idx.msk [tilespmem:v9+s9+$0x0], $0xffff  }
0x203: {  	v2 =	vadd.f32 v3, v2;
	v3 =	vmul.f32 v4, v10;
	v4 =	vld.idx.msk [tilespmem:v9+s12+$0x0], $0xffff  }
0x204: {  	v9 =	vld.idx.msk [tilespmem:v6+s9+$0x0], $0xffff  }
0x205: {  	v2 =	vadd.f32 v3, v2;
	v3 =	vmul.f32 v5, v11;
	v5 =	vld.idx.msk [tilespmem:v6+s12+$0x0], $0xffff  }
0x206: {  	v6 =	vld.idx.msk [tilespmem:v1+s9+$0x0], $0xffff  }
0x207: {  	v2 =	vadd.f32 v3, v2;
	v3 =	vmul.f32 v7, v12;
	v1 =	vld.idx.msk [tilespmem:v1+s12+$0x0], $0xffff;
	_ =	sdelay $0x1  }
0x208: {  	v2 =	vadd.f32 v3, v2;
	v3 =	vmul.f32 v4, v8;
	_ =	sdelay $0x1  }
0x209: {  	v2 =	vadd.f32 v3, v2;
	v3 =	vmul.f32 v5, v9;
	_ =	sdelay $0x1  }
0x20a: {  	v2 =	vadd.f32 v3, v2;
	v1 =	vmul.f32 v1, v6;
	_ =	sdelay $0x1  }
0x20b: {  	v1 =	vadd.f32 v1, v2;
	_ =	sdelay $0x1  }
0x20c: {  	v1 =	vsub.f32 $0.0e+00, v1;
	_ =	sdelay $0x1  }
0x20d: {  	v1 =	vmul.f32 $1.442695020e+00, v1;
	_ =	sdelay $0x1  }
0x20e: {  	(erf) = vpow2.f32 v1;
	_ =	sdelay $0x8  }
0x20f: {  	v1 =	vpop (erf)  }
0x210: {  	v1 =	vadd.f32 $1.000000000e+00, v1;
	_ =	sdelay $0x1  }
0x211: {  	(erf) = vrcp.f32 v1  }
.Ltmp6:
0x212: {  	(pc) =	sbr.rel @p1 .LBB2_11-.Ltmp6, $3  }
0x213: {  	_ =	sdelay $0x1  }
0x214: {  	v1 =	vmov s18  }
0x215: {  	s18 =	sadd.s32 $0x10, s18;
	v1 =	vshll.u32 v1, $0x7  }
0x216: {  	v1 =	vor.u32 v0, v1  }
0x217: {  	s0 =	sand.u32 $0x80, s16  }
0x218: {  	s1 =	sand.u32 $0x70, s16;
	v2 =	vor.u32 $0x1, v1;
	s0 =	sadd.s32 s0, s15  }
0x219: {  	s0 =	sadd.s32 s1, s0;
	v3 =	vpop (erf)  }
0x21a: {  	v4 =	vor.u32 $0x2, v1;
	[tilespmem:s0+$0x0] =	vst v3  }
0x21b: {  	v3 =	vld.idx.msk [tilespmem:v1+s12+$0x0], $0xffff  }
0x21c: {  	v6 =	vor.u32 $0x3, v1;
	v5 =	vld.idx.msk [tilespmem:v1+s9+$0x0], $0xffff  }
0x21d: {  	v7 =	vld.idx.msk [tilespmem:v2+s9+$0x0], $0xffff  }
0x21e: {  	v8 =	vor.u32 $0x4, v1;
	v2 =	vld.idx.msk [tilespmem:v2+s12+$0x0], $0xffff  }
0x21f: {  	v9 =	vld.idx.msk [tilespmem:v4+s9+$0x0], $0xffff  }
0x220: {  	v10 =	vor.u32 $0x5, v1;
	v4 =	vld.idx.msk [tilespmem:v4+s12+$0x0], $0xffff  }
0x221: {  	v11 =	vld.idx.msk [tilespmem:v6+s9+$0x0], $0xffff;
	v3 =	vmul.f32 v3, v5  }
0x222: {  	v34 =	vor.u32 $0x6, v1;
	v33 =	vld.idx.msk [tilespmem:v6+s12+$0x0], $0xffff  }
0x223: {  	v12 =	vld.idx.msk [tilespmem:v8+s9+$0x0], $0xffff;
	v2 =	vmul.f32 v2, v7;
	v3 =	vadd.f32 $0.0e+00, v3  }
0x224: {  	v36 =	vor.u32 $0x7, v1;
	v35 =	vld.idx.msk [tilespmem:v8+s12+$0x0], $0xffff  }
0x225: {  	v13 =	vld.idx.msk [tilespmem:v10+s9+$0x0], $0xffff;
	v2 =	vadd.f32 v2, v3;
	v3 =	vmul.f32 v4, v9  }
0x226: {  	v38 =	vor.u32 $0x8, v1;
	v37 =	vld.idx.msk [tilespmem:v10+s12+$0x0], $0xffff  }
0x227: {  	v39 =	vld.idx.msk [tilespmem:v34+s9+$0x0], $0xffff;
	v2 =	vadd.f32 v3, v2;
	v3 =	vmul.f32 v33, v11  }
0x228: {  	v41 =	vor.u32 $0x9, v1;
	v40 =	vld.idx.msk [tilespmem:v34+s12+$0x0], $0xffff  }
0x229: {  	v42 =	vld.idx.msk [tilespmem:v36+s9+$0x0], $0xffff;
	v2 =	vadd.f32 v3, v2;
	v3 =	vmul.f32 v35, v12  }
0x22a: {  	v44 =	vor.u32 $0xA, v1;
	v43 =	vld.idx.msk [tilespmem:v36+s12+$0x0], $0xffff  }
0x22b: {  	v45 =	vld.idx.msk [tilespmem:v38+s9+$0x0], $0xffff;
	v2 =	vadd.f32 v3, v2;
	v3 =	vmul.f32 v37, v13  }
0x22c: {  	v47 =	vor.u32 $0xB, v1;
	v46 =	vld.idx.msk [tilespmem:v38+s12+$0x0], $0xffff  }
0x22d: {  	v48 =	vld.idx.msk [tilespmem:v41+s9+$0x0], $0xffff;
	v2 =	vadd.f32 v3, v2;
	v3 =	vmul.f32 v40, v39  }
0x22e: {  	v50 =	vor.u32 $0xC, v1;
	v49 =	vld.idx.msk [tilespmem:v41+s12+$0x0], $0xffff  }
0x22f: {  	v51 =	vld.idx.msk [tilespmem:v44+s9+$0x0], $0xffff;
	v2 =	vadd.f32 v3, v2;
	v3 =	vmul.f32 v43, v42  }
0x230: {  	v53 =	vor.u32 $0xD, v1;
	v52 =	vld.idx.msk [tilespmem:v44+s12+$0x0], $0xffff  }
0x231: {  	v54 =	vld.idx.msk [tilespmem:v47+s9+$0x0], $0xffff;
	v2 =	vadd.f32 v3, v2;
	v3 =	vmul.f32 v46, v45  }
0x232: {  	v56 =	vor.u32 $0xE, v1;
	v55 =	vld.idx.msk [tilespmem:v47+s12+$0x0], $0xffff  }
0x233: {  	v57 =	vld.idx.msk [tilespmem:v50+s9+$0x0], $0xffff;
	v2 =	vadd.f32 v3, v2;
	v3 =	vmul.f32 v49, v48  }
0x234: {  	v59 =	vor.u32 $0xF, v1;
	v58 =	vld.idx.msk [tilespmem:v50+s12+$0x0], $0xffff  }
0x235: {  	v60 =	vld.idx.msk [tilespmem:v53+s9+$0x0], $0xffff;
	v2 =	vadd.f32 v3, v2;
	v3 =	vmul.f32 v52, v51  }
0x236: {  	v62 =	vor.u32 $0x10, v1;
	v61 =	vld.idx.msk [tilespmem:v53+s12+$0x0], $0xffff  }
0x237: {  	v63 =	vld.idx.msk [tilespmem:v56+s9+$0x0], $0xffff;
	v2 =	vadd.f32 v3, v2;
	v3 =	vmul.f32 v55, v54  }
0x238: {  	v17 =	vor.u32 $0x11, v1;
	v16 =	vld.idx.msk [tilespmem:v56+s12+$0x0], $0xffff  }
0x239: {  	v18 =	vld.idx.msk [tilespmem:v59+s9+$0x0], $0xffff;
	v2 =	vadd.f32 v3, v2;
	v3 =	vmul.f32 v58, v57  }
0x23a: {  	v20 =	vor.u32 $0x12, v1;
	v19 =	vld.idx.msk [tilespmem:v59+s12+$0x0], $0xffff  }
0x23b: {  	v21 =	vld.idx.msk [tilespmem:v62+s9+$0x0], $0xffff;
	v2 =	vadd.f32 v3, v2;
	v3 =	vmul.f32 v61, v60  }
0x23c: {  	v23 =	vor.u32 $0x13, v1;
	v22 =	vld.idx.msk [tilespmem:v62+s12+$0x0], $0xffff  }
0x23d: {  	v24 =	vld.idx.msk [tilespmem:v17+s9+$0x0], $0xffff;
	v2 =	vadd.f32 v3, v2;
	v3 =	vmul.f32 v16, v63  }
0x23e: {  	v26 =	vor.u32 $0x14, v1;
	v25 =	vld.idx.msk [tilespmem:v17+s12+$0x0], $0xffff  }
0x23f: {  	v27 =	vld.idx.msk [tilespmem:v20+s9+$0x0], $0xffff;
	v2 =	vadd.f32 v3, v2;
	v3 =	vmul.f32 v19, v18  }
0x240: {  	v29 =	vor.u32 $0x15, v1;
	v28 =	vld.idx.msk [tilespmem:v20+s12+$0x0], $0xffff  }
0x241: {  	v30 =	vld.idx.msk [tilespmem:v23+s9+$0x0], $0xffff;
	v2 =	vadd.f32 v3, v2;
	v3 =	vmul.f32 v22, v21  }
0x242: {  	v32 =	vor.u32 $0x16, v1;
	v31 =	vld.idx.msk [tilespmem:v23+s12+$0x0], $0xffff  }
0x243: {  	v34 =	vld.idx.msk [tilespmem:v26+s12+$0x0], $0xffff;
	v2 =	vadd.f32 v3, v2;
	v3 =	vmul.f32 v25, v24  }
0x244: {  	v33 =	vld.idx.msk [tilespmem:v26+s9+$0x0], $0xffff;
	v35 =	vor.u32 $0x17, v1  }
0x245: {  	v36 =	vld.idx.msk [tilespmem:v29+s9+$0x0], $0xffff;
	v2 =	vadd.f32 v3, v2;
	v3 =	vmul.f32 v28, v27  }
0x246: {  	v38 =	vor.u32 $0x18, v1;
	v37 =	vld.idx.msk [tilespmem:v29+s12+$0x0], $0xffff  }
0x247: {  	v39 =	vld.idx.msk [tilespmem:v32+s9+$0x0], $0xffff;
	v2 =	vadd.f32 v3, v2;
	v3 =	vmul.f32 v31, v30  }
0x248: {  	v41 =	vor.u32 $0x19, v1;
	v40 =	vld.idx.msk [tilespmem:v32+s12+$0x0], $0xffff  }
0x249: {  	v42 =	vld.idx.msk [tilespmem:v35+s9+$0x0], $0xffff;
	v2 =	vadd.f32 v3, v2;
	v3 =	vmul.f32 v34, v33  }
0x24a: {  	v44 =	vor.u32 $0x1A, v1;
	v43 =	vld.idx.msk [tilespmem:v35+s12+$0x0], $0xffff  }
0x24b: {  	v45 =	vld.idx.msk [tilespmem:v38+s9+$0x0], $0xffff;
	v2 =	vadd.f32 v3, v2;
	v3 =	vmul.f32 v37, v36  }
0x24c: {  	v47 =	vor.u32 $0x1B, v1;
	v46 =	vld.idx.msk [tilespmem:v38+s12+$0x0], $0xffff  }
0x24d: {  	v48 =	vld.idx.msk [tilespmem:v41+s9+$0x0], $0xffff;
	v2 =	vadd.f32 v3, v2;
	v3 =	vmul.f32 v40, v39  }
0x24e: {  	v50 =	vor.u32 $0x1C, v1;
	v49 =	vld.idx.msk [tilespmem:v41+s12+$0x0], $0xffff  }
0x24f: {  	v51 =	vld.idx.msk [tilespmem:v44+s9+$0x0], $0xffff;
	v2 =	vadd.f32 v3, v2;
	v3 =	vmul.f32 v43, v42  }
0x250: {  	v53 =	vor.u32 $0x1D, v1;
	v52 =	vld.idx.msk [tilespmem:v44+s12+$0x0], $0xffff  }
0x251: {  	v54 =	vld.idx.msk [tilespmem:v47+s9+$0x0], $0xffff;
	v2 =	vadd.f32 v3, v2;
	v3 =	vmul.f32 v46, v45  }
0x252: {  	v56 =	vor.u32 $0x1E, v1;
	v55 =	vld.idx.msk [tilespmem:v47+s12+$0x0], $0xffff  }
0x253: {  	v57 =	vld.idx.msk [tilespmem:v50+s9+$0x0], $0xffff;
	v2 =	vadd.f32 v3, v2;
	v3 =	vmul.f32 v49, v48  }
0x254: {  	v1 =	vor.u32 $0x1F, v1;
	v58 =	vld.idx.msk [tilespmem:v50+s12+$0x0], $0xffff  }
0x255: {  	v59 =	vld.idx.msk [tilespmem:v53+s9+$0x0], $0xffff;
	v2 =	vadd.f32 v3, v2;
	v3 =	vmul.f32 v52, v51  }
0x256: {  	v60 =	vld.idx.msk [tilespmem:v53+s12+$0x0], $0xffff  }
0x257: {  	v62 =	vld.idx.msk [tilespmem:v56+s12+$0x0], $0xffff;
	v2 =	vadd.f32 v3, v2;
	v3 =	vmul.f32 v55, v54  }
0x258: {  	v61 =	vld.idx.msk [tilespmem:v56+s9+$0x0], $0xffff  }
0x259: {  	v63 =	vld.idx.msk [tilespmem:v1+s9+$0x0], $0xffff;
	v2 =	vadd.f32 v3, v2;
	v3 =	vmul.f32 v58, v57  }
0x25a: {  	v1 =	vld.idx.msk [tilespmem:v1+s12+$0x0], $0xffff  }
0x25b: {  	v2 =	vadd.f32 v3, v2;
	v3 =	vmul.f32 v60, v59;
	_ =	sdelay $0x1  }
0x25c: {  	v2 =	vadd.f32 v3, v2;
	v3 =	vmul.f32 v62, v61;
	_ =	sdelay $0x1  }
0x25d: {  	v1 =	vmul.f32 v1, v63;
	v2 =	vadd.f32 v3, v2;
	_ =	sdelay $0x1  }
0x25e: {  	v1 =	vadd.f32 v1, v2;
	_ =	sdelay $0x1  }
0x25f: {  	v1 =	vsub.f32 $0.0e+00, v1;
	_ =	sdelay $0x1  }
0x260: {  	v1 =	vmul.f32 $1.442695020e+00, v1;
	_ =	sdelay $0x1  }
0x261: {  	(erf) = vpow2.f32 v1;
	_ =	sdelay $0x8  }
0x262: {  	v1 =	vpop (erf)  }
0x263: {  	v1 =	vadd.f32 $1.000000000e+00, v1;
	_ =	sdelay $0x1  }
0x264: {  	(erf) = vrcp.f32 v1;
	_ =	sdelay $0x5  }
.Ltmp7:
0x265: {  	_ = 	snop;
	(pc) =	sbr.rel @p0 .LBB2_2-.Ltmp7, $4  }
.Ltmp8:
0x266: {  	s30 =	sand.u32 $0x80, s17;
	(pc) =	sbr.rel @!p0 .LBB2_13-.Ltmp8, $4  }
0x267: {  	s31 =	sand.u32 $0x70, s17;
	s0 =	sadd.s32 s30, s15  }
0x268: {  	s0 =	sadd.s32 s31, s0;
	v1 =	vpop (erf)  }
0x269: {  	s13 =	simm.s32 $0x1;
	p1 =	por $0x0, $0x0;
	[tilespmem:s0+$0x0] =	vst v1  }
0x26a: {  	_ = 	snop  }
.LBB2_3:
.Ltmp9:
0x26b: {  	(pc) =	sbr.rel .LBB2_8-.Ltmp9, $2  }
0x26c: {  	_ =	sdelay $0x2  }
0x26d: {  	_ = 	snop  }
.LBB2_5:
.Ltmp10:
0x26e: {  	(pc) =	sbr.rel .LBB2_8-.Ltmp10, $3  }
0x26f: {  	_ =	sdelay $0x1  }
0x270: {  	s1 =	simm.s32 $0x2000;
	s8 =	simm.s32 $0x1  }
0x271: {  	s9 =	simm.s32 $0x400;
	s12 =	simm.s32 $0x8400;
	s13 =	rddreg [dreg:$0x13]  }
.LBB2_14:
0x272: {  	_ =	sfence.sel $0x180000  }
0x273: {  	[bflag:$0x0] =	sbarrier.arrive $0xFFFF  }
0x274: {  	_ =	strace $0x90000047  }
0x275: {  	s0 =	stileid.u32;
	[bflag:$0x2] =	sbarrier.arrive $0xFFFF  }
0x276: {  	p0 =	sne.s32 s0, $0x0;
	s0 =	rddreg [dreg:$0x3]  }
0x277: {  	s0 =	sadd.s32 @!p0 $0x100000, s0  }
0x278: {  	[sflag:s0] =	ssyncadd.tile.s32 @!p0 $0x1;
	_ =	shalt  }
.Lfunc_end2:
_tile_overlayer_lowered:
.L_overlay_start_2:
0x279: {  	(tag) =	ssettag $0x2  }
0x27a: {  	s0 =	rddreg [dreg:$0x0];
	s2 =	stileid.u32  }
0x27b: {  	s1 =	rddreg [dreg:$0x1];
	p0 =	sne.s32 s2, $0x0  }
0x27c: {  	s3 =	rddreg [dreg:$0x2];
	[bflag:$0x3] =	sbarrier.arrive $0xFFFF;
	s2 =	simm.s32 @!p0 $0x1C02  }
0x27d: {  	[timem:s3], [sflag:s2] =	dma.local @!p0 [hbm:s0], s1  }
0x27e: {  	s0 =	simm.s32 @!p0 $0x2  }
0x27f: {  	_ =	swait.ge @!p0 [sflag:s0], s1  }
0x280: {  	s1 =	ssub.s32 @!p0 $0x0, s1;
	[sflag:s0] =	ssyncset.done @!p0 $0x0  }
0x281: {  	[sflag:s0] =	ssyncadd.s32 @!p0 s1  }
0x282: {  	[bflag:$0x3] =	sbarrier.arrive $0xFFFF  }
0x283: {  	_ =	shalt  }

</sc_bundles>
